<compile_context>
chip_gen: v7x
topology: tpu7x:2x2x1
jax: 0.10.2.dev20260603
libtpu: 0.0.44.dev20260713+nightly
codegen_flags: <defaults>
</compile_context>

<pallas_src>
import functools

import jax
import jax.numpy as jnp
from jax import lax
from jax.experimental import pallas as pl
from jax.experimental.pallas import tpu as pltpu
from jax.experimental.pallas import tpu_sc as plsc

N = 10000
E = 160000
D = 256
T = 3
B = 64
H = 128
NC = 2
NS = 16
TN = T * N

_CH_A = 80
_NCH_A = N // _CH_A
_NW = NC * NS


_JA = (_NCH_A + _NW - 1) // _NW


def _embed_body(table_hbm, ids_hbm, out_hbm,
                idx0, idx1, idx2, idx3, rows0, rows1, rows2, rows3,
                semi0, semi1, semi2, semi3, semg0, semg1, semg2, semg3,
                semo0, semo1, semo2, semo3):
    c = lax.axis_index("c")
    s = lax.axis_index("s")
    w = s * NC + c
    idxq = (idx0, idx1, idx2, idx3)
    rows = (rows0, rows1, rows2, rows3)
    semi = (semi0, semi1, semi2, semi3)
    semg = (semg0, semg1, semg2, semg3)
    semo = (semo0, semo1, semo2, semo3)

    def guarded(j, f):
        @pl.when(w + _NW * j < _NCH_A)
        def _():
            f((w + _NW * j) * _CH_A)

    for j in range(_JA):
        guarded(j, lambda b, j=j: pltpu.async_copy(
            ids_hbm.at[pl.ds(b, _CH_A)], idxq[j], semi[j]))
    for j in range(_JA):
        def g(b, j=j):
            pltpu.make_async_copy(ids_hbm.at[pl.ds(b, _CH_A)], idxq[j],
                                  semi[j]).wait()
            pltpu.async_copy(table_hbm.at[idxq[j]], rows[j], semg[j])
        guarded(j, g)
    for j in range(_JA):
        def o(b, j=j):
            pltpu.make_async_copy(table_hbm.at[idxq[j]], rows[j],
                                  semg[j]).wait()
            pltpu.async_copy(rows[j], out_hbm.at[pl.ds(b, _CH_A)], semo[j])
        guarded(j, o)
    for j in range(_JA):
        guarded(j, lambda b, j=j: pltpu.make_async_copy(
            rows[j], out_hbm.at[pl.ds(b, _CH_A)], semo[j]).wait())


def _make_embed(interpret=False):
    return pl.kernel(
        _embed_body,
        out_type=jax.ShapeDtypeStruct((N, D), jnp.float32),
        mesh=plsc.VectorSubcoreMesh(core_axis_name="c", subcore_axis_name="s",
                                    num_cores=NC, num_subcores=NS),
        scratch_types=(
            [pltpu.VMEM((_CH_A,), jnp.int32) for _ in range(_JA)]
            + [pltpu.VMEM((_CH_A, D), jnp.float32) for _ in range(_JA)]
            + [pltpu.SemaphoreType.DMA for _ in range(3 * _JA)]
        ),
        interpret=interpret,
    )




def _msg_body(x_ref, w_ref, out_ref):
    out_ref[...] = jnp.dot(x_ref[...], w_ref[0],
                           preferred_element_type=jnp.float32)


def _make_msg(interpret=False):
    return pl.pallas_call(
        _msg_body,
        grid=(NC, T),
        in_specs=[
            pl.BlockSpec((N, D), lambda c, t: (0, 0)),
            pl.BlockSpec((1, D, H), lambda c, t: (t, 0, c)),
        ],
        out_specs=pl.BlockSpec((N, H), lambda c, t: (c * T + t, 0)),
        out_shape=jax.ShapeDtypeStruct((2 * TN, H), jnp.float32),
        interpret=interpret,
    )


_CH_E = 80
_EPS = E // NS
_NCH_E = _EPS // _CH_E
_RPS_A = 624
_RPS_B = N - 15 * _RPS_A


def _edge_body(h_hbm, ridx_hbm, dst_hbm, zeros_hbm, out_hbm,
               agg_sh, dst_v, idx0, idx1, idx2, rows0, rows1, rows2,
               semg0, semg1, semg2, sems0, sems1, sems2,
               semi0, semi1, semi2):
    c = lax.axis_index("c")
    s = lax.axis_index("s")

    pltpu.async_copy(dst_hbm.at[s], dst_v, sems0)

    @pl.when(s < NS - 1)
    def _():
        pltpu.async_copy(zeros_hbm.at[pl.ds(0, _RPS_A)],
                         agg_sh.at[pl.ds(s * _RPS_A, _RPS_A)], sems1)
        pltpu.make_async_copy(zeros_hbm.at[pl.ds(0, _RPS_A)],
                              agg_sh.at[pl.ds(s * _RPS_A, _RPS_A)],
                              sems1).wait()

    @pl.when(s == NS - 1)
    def _():
        pltpu.async_copy(zeros_hbm, agg_sh.at[pl.ds(15 * _RPS_A, _RPS_B)],
                         sems1)
        pltpu.make_async_copy(zeros_hbm,
                              agg_sh.at[pl.ds(15 * _RPS_A, _RPS_B)],
                              sems1).wait()

    pltpu.make_async_copy(dst_hbm.at[s], dst_v, sems0).wait()

    idxq = (idx0, idx1, idx2)
    rows = (rows0, rows1, rows2)
    semg = (semg0, semg1, semg2)
    sems = (sems0, sems1, sems2)
    semi = (semi0, semi1, semi2)
    ebase = c * E + s * _EPS

    def start_idx(i, b):
        pltpu.async_copy(ridx_hbm.at[pl.ds(ebase + i * _CH_E, _CH_E)],
                         idxq[b], semi[b])

    def wait_idx(i, b):
        pltpu.make_async_copy(ridx_hbm.at[pl.ds(ebase + i * _CH_E, _CH_E)],
                              idxq[b], semi[b]).wait()

    def start_gather(i, b):
        pltpu.async_copy(h_hbm.at[idxq[b]], rows[b], semg[b])

    def wait_gather(i, b):
        pltpu.make_async_copy(h_hbm.at[idxq[b]], rows[b], semg[b]).wait()

    def start_scatter(i, b):
        pltpu.async_copy(rows[b], agg_sh.at[dst_v.at[i]], sems[b], add=True)

    def wait_scatter(i, b):
        pltpu.make_async_copy(rows[b], agg_sh.at[dst_v.at[i]], sems[b]).wait()

    start_idx(0, 0)
    start_idx(1, 1)
    start_idx(2, 2)

    plsc.subcore_barrier()

    wait_idx(0, 0)
    start_gather(0, 0)
    wait_idx(1, 1)
    start_gather(1, 1)

    def tri(p, carry):
        for u in range(3):
            j = 3 * p + u

            @pl.when(j < _NCH_E)
            def _():
                wait_gather(j, u)
                start_scatter(j, u)

                @pl.when(j >= 1)
                def _():
                    wait_scatter(j - 1, (u + 2) % 3)

                @pl.when(j + 2 < _NCH_E)
                def _():
                    wait_idx(j + 2, (u + 2) % 3)
                    start_gather(j + 2, (u + 2) % 3)

                @pl.when(j + 3 < _NCH_E)
                def _():
                    start_idx(j + 3, u)

        return carry

    lax.fori_loop(0, (_NCH_E + 2) // 3, tri, 0)

    wait_scatter(_NCH_E - 1, (_NCH_E - 1) % 3)

    plsc.subcore_barrier()

    @pl.when(s < NS - 1)
    def _():
        pltpu.sync_copy(agg_sh.at[pl.ds(s * _RPS_A, _RPS_A)],
                        out_hbm.at[pl.ds(c * N + s * _RPS_A, _RPS_A)])

    @pl.when(s == NS - 1)
    def _():
        pltpu.sync_copy(agg_sh.at[pl.ds(15 * _RPS_A, _RPS_B)],
                        out_hbm.at[pl.ds(c * N + 15 * _RPS_A, _RPS_B)])


def _make_edge(interpret=False):
    return pl.kernel(
        _edge_body,
        out_type=jax.ShapeDtypeStruct((2 * N, H), jnp.float32),
        mesh=plsc.VectorSubcoreMesh(core_axis_name="c", subcore_axis_name="s",
                                    num_cores=NC, num_subcores=NS),
        scratch_types=[
            pltpu.VMEM_SHARED((N, H), jnp.float32),
            pltpu.VMEM((_NCH_E, _CH_E), jnp.int32),
            pltpu.VMEM((_CH_E,), jnp.int32),
            pltpu.VMEM((_CH_E,), jnp.int32),
            pltpu.VMEM((_CH_E,), jnp.int32),
            pltpu.VMEM((_CH_E, H), jnp.float32),
            pltpu.VMEM((_CH_E, H), jnp.float32),
            pltpu.VMEM((_CH_E, H), jnp.float32),
            pltpu.SemaphoreType.DMA,
            pltpu.SemaphoreType.DMA,
            pltpu.SemaphoreType.DMA,
            pltpu.SemaphoreType.DMA,
            pltpu.SemaphoreType.DMA,
            pltpu.SemaphoreType.DMA,
            pltpu.SemaphoreType.DMA,
            pltpu.SemaphoreType.DMA,
            pltpu.SemaphoreType.DMA,
        ],
        interpret=interpret,
    )


def _gru_body(lo_ref, hi_ref, x_ref,
              wzlo, wzhi, uz, bz, wrlo, wrhi, ur, br,
              whlo, whhi, uh, bh, w1, w2,
              r1_ref, r2_ref):
    lo = lo_ref[...]
    hi = hi_ref[...]
    x = x_ref[...]

    def mm(a, w):
        return jnp.dot(a, w[...], preferred_element_type=jnp.float32)

    za = mm(lo, wzlo) + mm(hi, wzhi) + mm(x, uz) + bz[...]
    ra = mm(lo, wrlo) + mm(hi, wrhi) + mm(x, ur) + br[...]
    z = jax.nn.sigmoid(za)
    r = jax.nn.sigmoid(ra)
    ha = mm(lo, whlo) + mm(hi, whhi) + mm(r * x, uh) + bh[...]
    hh = jnp.tanh(ha)
    rep = (1.0 - z) * x + z * hh
    r1_ref[...] = jnp.sum(rep * w1[...], axis=1, keepdims=True)
    r2_ref[...] = jnp.sum(rep * w2[...], axis=1, keepdims=True)


_BND = 2000
_NBD = N // _BND


def _make_gru(interpret=False):
    full = lambda i: (0, 0)
    return pl.pallas_call(
        _gru_body,
        grid=(_NBD,),
        in_specs=[
            pl.BlockSpec((_BND, H), lambda i: (i, 0)),
            pl.BlockSpec((_BND, H), lambda i: (_NBD + i, 0)),
            pl.BlockSpec((_BND, D), lambda i: (i, 0)),
            pl.BlockSpec((H, D), full), pl.BlockSpec((H, D), full),
            pl.BlockSpec((D, D), full), pl.BlockSpec((1, D), full),
            pl.BlockSpec((H, D), full), pl.BlockSpec((H, D), full),
            pl.BlockSpec((D, D), full), pl.BlockSpec((1, D), full),
            pl.BlockSpec((H, D), full), pl.BlockSpec((H, D), full),
            pl.BlockSpec((D, D), full), pl.BlockSpec((1, D), full),
            pl.BlockSpec((1, D), full), pl.BlockSpec((1, D), full),
        ],
        out_specs=[
            pl.BlockSpec((_BND, 1), lambda i: (i, 0)),
            pl.BlockSpec((_BND, 1), lambda i: (i, 0)),
        ],
        out_shape=[
            jax.ShapeDtypeStruct((N, 1), jnp.float32),
            jax.ShapeDtypeStruct((N, 1), jnp.float32),
        ],
        interpret=interpret,
    )


def _pool_body(gid_ref, r1_ref, r2_ref, out_ref):
    gid = gid_ref[...]
    r1 = r1_ref[...]
    r2 = r2_ref[...]
    gids = jnp.broadcast_to(gid, (B, N))
    gvals = lax.broadcasted_iota(jnp.int32, (B, N), 0)
    mask = (gids == gvals).astype(jnp.float32)
    sum2 = jnp.sum(mask * r2, axis=1, keepdims=True)
    cnt = jnp.sum(mask, axis=1, keepdims=True)
    sg = sum2 / jnp.maximum(cnt, 1.0)
    snode = jnp.sum(mask * sg, axis=0, keepdims=True)
    out_ref[...] = r1 + snode


def _make_pool(interpret=False):
    return pl.pallas_call(
        _pool_body,
        in_specs=[
            pl.BlockSpec((1, N), lambda: (0, 0)),
            pl.BlockSpec((1, N), lambda: (0, 0)),
            pl.BlockSpec((1, N), lambda: (0, 0)),
        ],
        out_specs=pl.BlockSpec((1, N), lambda: (0, 0)),
        out_shape=jax.ShapeDtypeStruct((1, N), jnp.float32),
        interpret=interpret,
    )


_make_embed = functools.cache(_make_embed)
_make_msg = functools.cache(_make_msg)
_make_edge = functools.cache(_make_edge)
_make_gru = functools.cache(_make_gru)
_make_pool = functools.cache(_make_pool)


def kernel(node_ids, edge_index, edge_types, graph_ids, embed_table, W_msg,
           Wz, Uz, bz, Wr, Ur, br, Wh, Uh, bh, W_cls):
    _embed_call = _make_embed()
    _msg_call = _make_msg()
    _edge_call = _make_edge()
    _gru_call = _make_gru()
    _pool_call = _make_pool()
    ids = node_ids.astype(jnp.int32)
    src = edge_index[0].astype(jnp.int32)
    dst = edge_index[1].astype(jnp.int32)
    et = edge_types.astype(jnp.int32)
    gid = graph_ids.astype(jnp.int32)

    ridx = et * N + src
    ridx2 = jnp.concatenate([ridx, ridx + TN])
    dst3 = dst.reshape(NS, _NCH_E, _CH_E)
    zeros = jnp.zeros((_RPS_B, H), jnp.float32)

    x = _embed_call(embed_table, ids)
    h_cat = _msg_call(x, W_msg)
    agg = _edge_call(h_cat, ridx2, dst3, zeros)

    w1 = W_cls[:D, 0].reshape(1, D)
    w2 = W_cls[D:, 0].reshape(1, D)
    r1, r2 = _gru_call(
        agg, agg, x,
        Wz[:H], Wz[H:], Uz, bz.reshape(1, D),
        Wr[:H], Wr[H:], Ur, br.reshape(1, D),
        Wh[:H], Wh[H:], Uh, bh.reshape(1, D),
        w1, w2,
    )

    logits = _pool_call(gid.reshape(1, N), r1.reshape(1, N), r2.reshape(1, N))
    return logits[0]

# --- scband reference (transcript-rebuilt; emitter-appended) ---
"""Pipeline reference for scband-graph-to-classify-34883724378725 (READ-ONLY COPY).

The authoritative reference and input builder live on the scoring server;
editing this copy changes nothing except your own understanding.
"""

import jax, jax.numpy as jnp
import numpy as np

N = 10000   # total nodes across batch
E = 160000  # total edges
D = 256     # node feature dim (concat with pooled state -> 512)
T = 3       # num edge types
B = 64      # graphs in batch
V = 10000   # node token vocabulary


def setup_inputs(seed: int = 0) -> dict:
    key = jax.random.key(seed)
    ks = jax.random.split(key, 18)
    s = 1.0 / np.sqrt(D)
    inp = {}
    inp["node_ids"] = jax.random.randint(ks[0], (N,), 0, V)
    inp["edge_index"] = jax.random.randint(ks[1], (2, E), 0, N)
    inp["edge_types"] = jax.random.randint(ks[2], (E,), 0, T)
    inp["graph_ids"] = jnp.sort(jax.random.randint(ks[3], (N,), 0, B))
    # learned parameters
    inp["embed_table"] = jax.random.normal(ks[4], (V, D), dtype=jnp.float32) * s
    inp["W_msg"] = jax.random.normal(ks[5], (T, D, D), dtype=jnp.float32) * s
    inp["Wz"] = jax.random.normal(ks[6], (D, D), dtype=jnp.float32) * s
    inp["Uz"] = jax.random.normal(ks[7], (D, D), dtype=jnp.float32) * s
    inp["bz"] = jnp.zeros((D,), dtype=jnp.float32)
    inp["Wr"] = jax.random.normal(ks[8], (D, D), dtype=jnp.float32) * s
    inp["Ur"] = jax.random.normal(ks[9], (D, D), dtype=jnp.float32) * s
    inp["br"] = jnp.zeros((D,), dtype=jnp.float32)
    inp["Wh"] = jax.random.normal(ks[10], (D, D), dtype=jnp.float32) * s
    inp["Uh"] = jax.random.normal(ks[11], (D, D), dtype=jnp.float32) * s
    inp["bh"] = jnp.zeros((D,), dtype=jnp.float32)
    inp["W_cls"] = jax.random.normal(ks[12], (2 * D, 1), dtype=jnp.float32) * (1.0 / np.sqrt(2 * D))
    return inp


def reference(node_ids, edge_index, edge_types, graph_ids, embed_table, W_msg,
              Wz, Uz, bz, Wr, Ur, br, Wh, Uh, bh, W_cls):
    # features_inputter.transform: token-id -> embedding lookup (gather)
    x = jnp.take(embed_table, node_ids, axis=0)                      # [N, D]
    # GGNN-style GraphEncoder: per-edge-type transform, gather, scatter-add
    h_all = jnp.einsum('nd,tde->tne', x, W_msg)                      # [T, N, D]
    src = edge_index[0]
    dst = edge_index[1]
    msgs = h_all[edge_types, src]                                    # [E, D] gather
    agg = jax.ops.segment_sum(msgs, dst, num_segments=N)             # [N, D] scatter-add
    # GRU node update
    z = jax.nn.sigmoid(agg @ Wz + x @ Uz + bz)
    r = jax.nn.sigmoid(agg @ Wr + x @ Ur + br)
    hh = jnp.tanh(agg @ Wh + (r * x) @ Uh + bh)
    representations = (1.0 - z) * x + z * hh                         # [N, D]
    # initial_state: per-graph mean pooling (segment reduce)
    counts = jax.ops.segment_sum(jnp.ones((N, 1), dtype=jnp.float32), graph_ids, num_segments=B)
    state = jax.ops.segment_sum(representations, graph_ids, num_segments=B) / jnp.maximum(counts, 1.0)  # [B, D]
    # tf.tile(reshape(initial_state,...)) == gather state back to nodes
    state_per_node = jnp.take(state, graph_ids, axis=0)              # [N, D]
    # classify_linear over concat -> [N, 512] @ [512, 1], squeeze
    logits = jnp.squeeze(jnp.concatenate([representations, state_per_node], axis=-1) @ W_cls, axis=-1)  # [N]
    return logits

if __name__ == "__main__":
    import jax
    _d = setup_inputs()
    print(jax.jit(kernel)(*tuple(_d.values())))

</pallas_src>

<mosaic_0001>
#map = affine_map<(d0, d1) -> (0, 0)>
#map1 = affine_map<(d0, d1) -> (0)>
module attributes {stable_mosaic.version = 14 : i64} {
  func.func @_embed_body(%arg0: i32, %arg1: i32, %arg2: memref<10000x256xf32, #tpu.memory_space<hbm>>, %arg3: memref<10000xi32, #tpu.memory_space<hbm>>, %arg4: memref<10000x256xf32, #tpu.memory_space<hbm>>, %arg5: memref<80xi32, #tpu.memory_space<vmem>>, %arg6: memref<80xi32, #tpu.memory_space<vmem>>, %arg7: memref<80xi32, #tpu.memory_space<vmem>>, %arg8: memref<80xi32, #tpu.memory_space<vmem>>, %arg9: memref<80x256xf32, #tpu.memory_space<vmem>>, %arg10: memref<80x256xf32, #tpu.memory_space<vmem>>, %arg11: memref<80x256xf32, #tpu.memory_space<vmem>>, %arg12: memref<80x256xf32, #tpu.memory_space<vmem>>, %arg13: memref<!tpu.dma_semaphore, #tpu.memory_space<semaphore_mem>>, %arg14: memref<!tpu.dma_semaphore, #tpu.memory_space<semaphore_mem>>, %arg15: memref<!tpu.dma_semaphore, #tpu.memory_space<semaphore_mem>>, %arg16: memref<!tpu.dma_semaphore, #tpu.memory_space<semaphore_mem>>, %arg17: memref<!tpu.dma_semaphore, #tpu.memory_space<semaphore_mem>>, %arg18: memref<!tpu.dma_semaphore, #tpu.memory_space<semaphore_mem>>, %arg19: memref<!tpu.dma_semaphore, #tpu.memory_space<semaphore_mem>>, %arg20: memref<!tpu.dma_semaphore, #tpu.memory_space<semaphore_mem>>, %arg21: memref<!tpu.dma_semaphore, #tpu.memory_space<semaphore_mem>>, %arg22: memref<!tpu.dma_semaphore, #tpu.memory_space<semaphore_mem>>, %arg23: memref<!tpu.dma_semaphore, #tpu.memory_space<semaphore_mem>>, %arg24: memref<!tpu.dma_semaphore, #tpu.memory_space<semaphore_mem>>) attributes {dimension_semantics = [#tpu.dimension_semantics<core_parallel>, #tpu.dimension_semantics<subcore_parallel>], iteration_bounds = array<i64: 2, 16>, scalar_prefetch = 0 : i64, scratch_operands = 20 : i64, tpu.core_type = #tpu.core_type<sc_vector_subcore>, window_params = [{transform_indices = #map}, {transform_indices = #map1}, {transform_indices = #map}]} {
    %mul3A = arith.constant 2 : i32
    %mul3A_0 = arith.muli %arg1, %mul3A : i32
    %add3A = arith.addi %mul3A_0, %arg0 : i32
    %add3A_1 = arith.constant 0 : i32
    %add3A_2 = arith.addi %add3A, %add3A_1 : i32
    %lt3A = arith.constant 125 : i32
    %lt3A_3 = arith.cmpi slt, %add3A_2, %lt3A : i32
    %convert_element_type3A = arith.extui %lt3A_3 : i1 to i32
    %cond3A = arith.constant 0 : i32
    %cond3A_4 = arith.cmpi ne, %convert_element_type3A, %cond3A : i32
    scf.if %cond3A_4 {
      %add3A_110 = arith.constant 0 : i32
      %add3A_111 = arith.addi %add3A, %add3A_110 : i32
      %mul3A_112 = arith.constant 80 : i32
      %mul3A_113 = arith.muli %add3A_111, %mul3A_112 : i32
      %dma_start3A = tpu.memref_slice %arg3[%mul3A_113] : memref<10000xi32, #tpu.memory_space<hbm>> -> memref<80xi32, #tpu.memory_space<hbm>>
      %dma_start3A_114 = tpu.memref_slice %arg3[%mul3A_113] : memref<10000xi32, #tpu.memory_space<hbm>> -> memref<80xi32, #tpu.memory_space<hbm>>
      tpu.enqueue_dma source(%dma_start3A_114 : memref<80xi32, #tpu.memory_space<hbm>>) target(%arg5 : memref<80xi32, #tpu.memory_space<vmem>>) target_semaphore(%arg13 : memref<!tpu.dma_semaphore, #tpu.memory_space<semaphore_mem>>)
    } else {
    }
    %add3A_5 = arith.constant 32 : i32
    %add3A_6 = arith.addi %add3A, %add3A_5 : i32
    %lt3A_7 = arith.constant 125 : i32
    %lt3A_8 = arith.cmpi slt, %add3A_6, %lt3A_7 : i32
    %convert_element_type3A_9 = arith.extui %lt3A_8 : i1 to i32
    %cond3A_10 = arith.constant 0 : i32
    %cond3A_11 = arith.cmpi ne, %convert_element_type3A_9, %cond3A_10 : i32
    scf.if %cond3A_11 {
      %add3A_110 = arith.constant 32 : i32
      %add3A_111 = arith.addi %add3A, %add3A_110 : i32
      %mul3A_112 = arith.constant 80 : i32
      %mul3A_113 = arith.muli %add3A_111, %mul3A_112 : i32
      %dma_start3A = tpu.memref_slice %arg3[%mul3A_113] : memref<10000xi32, #tpu.memory_space<hbm>> -> memref<80xi32, #tpu.memory_space<hbm>>
      %dma_start3A_114 = tpu.memref_slice %arg3[%mul3A_113] : memref<10000xi32, #tpu.memory_space<hbm>> -> memref<80xi32, #tpu.memory_space<hbm>>
      tpu.enqueue_dma source(%dma_start3A_114 : memref<80xi32, #tpu.memory_space<hbm>>) target(%arg6 : memref<80xi32, #tpu.memory_space<vmem>>) target_semaphore(%arg14 : memref<!tpu.dma_semaphore, #tpu.memory_space<semaphore_mem>>)
    } else {
    }
    %add3A_12 = arith.constant 64 : i32
    %add3A_13 = arith.addi %add3A, %add3A_12 : i32
    %lt3A_14 = arith.constant 125 : i32
    %lt3A_15 = arith.cmpi slt, %add3A_13, %lt3A_14 : i32
    %convert_element_type3A_16 = arith.extui %lt3A_15 : i1 to i32
    %cond3A_17 = arith.constant 0 : i32
    %cond3A_18 = arith.cmpi ne, %convert_element_type3A_16, %cond3A_17 : i32
    scf.if %cond3A_18 {
      %add3A_110 = arith.constant 64 : i32
      %add3A_111 = arith.addi %add3A, %add3A_110 : i32
      %mul3A_112 = arith.constant 80 : i32
      %mul3A_113 = arith.muli %add3A_111, %mul3A_112 : i32
      %dma_start3A = tpu.memref_slice %arg3[%mul3A_113] : memref<10000xi32, #tpu.memory_space<hbm>> -> memref<80xi32, #tpu.memory_space<hbm>>
      %dma_start3A_114 = tpu.memref_slice %arg3[%mul3A_113] : memref<10000xi32, #tpu.memory_space<hbm>> -> memref<80xi32, #tpu.memory_space<hbm>>
      tpu.enqueue_dma source(%dma_start3A_114 : memref<80xi32, #tpu.memory_space<hbm>>) target(%arg7 : memref<80xi32, #tpu.memory_space<vmem>>) target_semaphore(%arg15 : memref<!tpu.dma_semaphore, #tpu.memory_space<semaphore_mem>>)
    } else {
    }
    %add3A_19 = arith.constant 96 : i32
    %add3A_20 = arith.addi %add3A, %add3A_19 : i32
    %lt3A_21 = arith.constant 125 : i32
    %lt3A_22 = arith.cmpi slt, %add3A_20, %lt3A_21 : i32
    %convert_element_type3A_23 = arith.extui %lt3A_22 : i1 to i32
    %cond3A_24 = arith.constant 0 : i32
    %cond3A_25 = arith.cmpi ne, %convert_element_type3A_23, %cond3A_24 : i32
    scf.if %cond3A_25 {
      %add3A_110 = arith.constant 96 : i32
      %add3A_111 = arith.addi %add3A, %add3A_110 : i32
      %mul3A_112 = arith.constant 80 : i32
      %mul3A_113 = arith.muli %add3A_111, %mul3A_112 : i32
      %dma_start3A = tpu.memref_slice %arg3[%mul3A_113] : memref<10000xi32, #tpu.memory_space<hbm>> -> memref<80xi32, #tpu.memory_space<hbm>>
      %dma_start3A_114 = tpu.memref_slice %arg3[%mul3A_113] : memref<10000xi32, #tpu.memory_space<hbm>> -> memref<80xi32, #tpu.memory_space<hbm>>
      tpu.enqueue_dma source(%dma_start3A_114 : memref<80xi32, #tpu.memory_space<hbm>>) target(%arg8 : memref<80xi32, #tpu.memory_space<vmem>>) target_semaphore(%arg16 : memref<!tpu.dma_semaphore, #tpu.memory_space<semaphore_mem>>)
    } else {
    }
    %add3A_26 = arith.constant 0 : i32
    %add3A_27 = arith.addi %add3A, %add3A_26 : i32
    %lt3A_28 = arith.constant 125 : i32
    %lt3A_29 = arith.cmpi slt, %add3A_27, %lt3A_28 : i32
    %convert_element_type3A_30 = arith.extui %lt3A_29 : i1 to i32
    %cond3A_31 = arith.constant 0 : i32
    %cond3A_32 = arith.cmpi ne, %convert_element_type3A_30, %cond3A_31 : i32
    scf.if %cond3A_32 {
      %add3A_110 = arith.constant 0 : i32
      %add3A_111 = arith.addi %add3A, %add3A_110 : i32
      %mul3A_112 = arith.constant 80 : i32
      %mul3A_113 = arith.muli %add3A_111, %mul3A_112 : i32
      %dma_wait3A = tpu.memref_slice %arg3[%mul3A_113] : memref<10000xi32, #tpu.memory_space<hbm>> -> memref<80xi32, #tpu.memory_space<hbm>>
      %dma_wait3A_114 = tpu.memref_slice %arg3[%mul3A_113] : memref<10000xi32, #tpu.memory_space<hbm>> -> memref<80xi32, #tpu.memory_space<hbm>>
      tpu.wait_dma2 semaphore(%arg13 : memref<!tpu.dma_semaphore, #tpu.memory_space<semaphore_mem>>) src(%dma_wait3A_114 : memref<80xi32, #tpu.memory_space<hbm>>) dst(%arg5 : memref<80xi32, #tpu.memory_space<vmem>>)
      %dma_start3A = arith.constant 0 : i32
      %dma_start3A_115 = arith.constant 0 : i32
      %dma_start3A_116 = tpu.memref_slice %arg2[%dma_start3A, %dma_start3A_115] : memref<10000x256xf32, #tpu.memory_space<hbm>> -> memref<10000x256xf32, #tpu.memory_space<hbm>>
      tpu.enqueue_indirect_dma source(%dma_start3A_116 : memref<10000x256xf32, #tpu.memory_space<hbm>>) target(%arg9 : memref<80x256xf32, #tpu.memory_space<vmem>>) offsets(%arg5 : memref<80xi32, #tpu.memory_space<vmem>>) semaphore(%arg17 : memref<!tpu.dma_semaphore, #tpu.memory_space<semaphore_mem>>)
    } else {
    }
    %add3A_33 = arith.constant 32 : i32
    %add3A_34 = arith.addi %add3A, %add3A_33 : i32
    %lt3A_35 = arith.constant 125 : i32
    %lt3A_36 = arith.cmpi slt, %add3A_34, %lt3A_35 : i32
    %convert_element_type3A_37 = arith.extui %lt3A_36 : i1 to i32
    %cond3A_38 = arith.constant 0 : i32
    %cond3A_39 = arith.cmpi ne, %convert_element_type3A_37, %cond3A_38 : i32
    scf.if %cond3A_39 {
      %add3A_110 = arith.constant 32 : i32
      %add3A_111 = arith.addi %add3A, %add3A_110 : i32
      %mul3A_112 = arith.constant 80 : i32
      %mul3A_113 = arith.muli %add3A_111, %mul3A_112 : i32
      %dma_wait3A = tpu.memref_slice %arg3[%mul3A_113] : memref<10000xi32, #tpu.memory_space<hbm>> -> memref<80xi32, #tpu.memory_space<hbm>>
      %dma_wait3A_114 = tpu.memref_slice %arg3[%mul3A_113] : memref<10000xi32, #tpu.memory_space<hbm>> -> memref<80xi32, #tpu.memory_space<hbm>>
      tpu.wait_dma2 semaphore(%arg14 : memref<!tpu.dma_semaphore, #tpu.memory_space<semaphore_mem>>) src(%dma_wait3A_114 : memref<80xi32, #tpu.memory_space<hbm>>) dst(%arg6 : memref<80xi32, #tpu.memory_space<vmem>>)
      %dma_start3A = arith.constant 0 : i32
      %dma_start3A_115 = arith.constant 0 : i32
      %dma_start3A_116 = tpu.memref_slice %arg2[%dma_start3A, %dma_start3A_115] : memref<10000x256xf32, #tpu.memory_space<hbm>> -> memref<10000x256xf32, #tpu.memory_space<hbm>>
      tpu.enqueue_indirect_dma source(%dma_start3A_116 : memref<10000x256xf32, #tpu.memory_space<hbm>>) target(%arg10 : memref<80x256xf32, #tpu.memory_space<vmem>>) offsets(%arg6 : memref<80xi32, #tpu.memory_space<vmem>>) semaphore(%arg18 : memref<!tpu.dma_semaphore, #tpu.memory_space<semaphore_mem>>)
    } else {
    }
    %add3A_40 = arith.constant 64 : i32
    %add3A_41 = arith.addi %add3A, %add3A_40 : i32
    %lt3A_42 = arith.constant 125 : i32
    %lt3A_43 = arith.cmpi slt, %add3A_41, %lt3A_42 : i32
    %convert_element_type3A_44 = arith.extui %lt3A_43 : i1 to i32
    %cond3A_45 = arith.constant 0 : i32
    %cond3A_46 = arith.cmpi ne, %convert_element_type3A_44, %cond3A_45 : i32
    scf.if %cond3A_46 {
      %add3A_110 = arith.constant 64 : i32
      %add3A_111 = arith.addi %add3A, %add3A_110 : i32
      %mul3A_112 = arith.constant 80 : i32
      %mul3A_113 = arith.muli %add3A_111, %mul3A_112 : i32
      %dma_wait3A = tpu.memref_slice %arg3[%mul3A_113] : memref<10000xi32, #tpu.memory_space<hbm>> -> memref<80xi32, #tpu.memory_space<hbm>>
      %dma_wait3A_114 = tpu.memref_slice %arg3[%mul3A_113] : memref<10000xi32, #tpu.memory_space<hbm>> -> memref<80xi32, #tpu.memory_space<hbm>>
      tpu.wait_dma2 semaphore(%arg15 : memref<!tpu.dma_semaphore, #tpu.memory_space<semaphore_mem>>) src(%dma_wait3A_114 : memref<80xi32, #tpu.memory_space<hbm>>) dst(%arg7 : memref<80xi32, #tpu.memory_space<vmem>>)
      %dma_start3A = arith.constant 0 : i32
      %dma_start3A_115 = arith.constant 0 : i32
      %dma_start3A_116 = tpu.memref_slice %arg2[%dma_start3A, %dma_start3A_115] : memref<10000x256xf32, #tpu.memory_space<hbm>> -> memref<10000x256xf32, #tpu.memory_space<hbm>>
      tpu.enqueue_indirect_dma source(%dma_start3A_116 : memref<10000x256xf32, #tpu.memory_space<hbm>>) target(%arg11 : memref<80x256xf32, #tpu.memory_space<vmem>>) offsets(%arg7 : memref<80xi32, #tpu.memory_space<vmem>>) semaphore(%arg19 : memref<!tpu.dma_semaphore, #tpu.memory_space<semaphore_mem>>)
    } else {
    }
    %add3A_47 = arith.constant 96 : i32
    %add3A_48 = arith.addi %add3A, %add3A_47 : i32
    %lt3A_49 = arith.constant 125 : i32
    %lt3A_50 = arith.cmpi slt, %add3A_48, %lt3A_49 : i32
    %convert_element_type3A_51 = arith.extui %lt3A_50 : i1 to i32
    %cond3A_52 = arith.constant 0 : i32
    %cond3A_53 = arith.cmpi ne, %convert_element_type3A_51, %cond3A_52 : i32
    scf.if %cond3A_53 {
      %add3A_110 = arith.constant 96 : i32
      %add3A_111 = arith.addi %add3A, %add3A_110 : i32
      %mul3A_112 = arith.constant 80 : i32
      %mul3A_113 = arith.muli %add3A_111, %mul3A_112 : i32
      %dma_wait3A = tpu.memref_slice %arg3[%mul3A_113] : memref<10000xi32, #tpu.memory_space<hbm>> -> memref<80xi32, #tpu.memory_space<hbm>>
      %dma_wait3A_114 = tpu.memref_slice %arg3[%mul3A_113] : memref<10000xi32, #tpu.memory_space<hbm>> -> memref<80xi32, #tpu.memory_space<hbm>>
      tpu.wait_dma2 semaphore(%arg16 : memref<!tpu.dma_semaphore, #tpu.memory_space<semaphore_mem>>) src(%dma_wait3A_114 : memref<80xi32, #tpu.memory_space<hbm>>) dst(%arg8 : memref<80xi32, #tpu.memory_space<vmem>>)
      %dma_start3A = arith.constant 0 : i32
      %dma_start3A_115 = arith.constant 0 : i32
      %dma_start3A_116 = tpu.memref_slice %arg2[%dma_start3A, %dma_start3A_115] : memref<10000x256xf32, #tpu.memory_space<hbm>> -> memref<10000x256xf32, #tpu.memory_space<hbm>>
      tpu.enqueue_indirect_dma source(%dma_start3A_116 : memref<10000x256xf32, #tpu.memory_space<hbm>>) target(%arg12 : memref<80x256xf32, #tpu.memory_space<vmem>>) offsets(%arg8 : memref<80xi32, #tpu.memory_space<vmem>>) semaphore(%arg20 : memref<!tpu.dma_semaphore, #tpu.memory_space<semaphore_mem>>)
    } else {
    }
    %add3A_54 = arith.constant 0 : i32
    %add3A_55 = arith.addi %add3A, %add3A_54 : i32
    %lt3A_56 = arith.constant 125 : i32
    %lt3A_57 = arith.cmpi slt, %add3A_55, %lt3A_56 : i32
    %convert_element_type3A_58 = arith.extui %lt3A_57 : i1 to i32
    %cond3A_59 = arith.constant 0 : i32
    %cond3A_60 = arith.cmpi ne, %convert_element_type3A_58, %cond3A_59 : i32
    scf.if %cond3A_60 {
      %add3A_110 = arith.constant 0 : i32
      %add3A_111 = arith.addi %add3A, %add3A_110 : i32
      %mul3A_112 = arith.constant 80 : i32
      %mul3A_113 = arith.muli %add3A_111, %mul3A_112 : i32
      %dma_wait3A = arith.constant 0 : i32
      %dma_wait3A_114 = arith.constant 0 : i32
      %dma_wait3A_115 = tpu.memref_slice %arg2[%dma_wait3A, %dma_wait3A_114] : memref<10000x256xf32, #tpu.memory_space<hbm>> -> memref<10000x256xf32, #tpu.memory_space<hbm>>
      tpu.wait_indirect_dma semaphore(%arg17 : memref<!tpu.dma_semaphore, #tpu.memory_space<semaphore_mem>>) src(%dma_wait3A_115 : memref<10000x256xf32, #tpu.memory_space<hbm>>) dst(%arg9 : memref<80x256xf32, #tpu.memory_space<vmem>>)
      %dma_start3A = arith.constant 0 : i32
      %dma_start3A_116 = tpu.memref_slice %arg4[%mul3A_113, %dma_start3A] : memref<10000x256xf32, #tpu.memory_space<hbm>> -> memref<80x256xf32, #tpu.memory_space<hbm>>
      %dma_start3A_117 = arith.constant 0 : i32
      %dma_start3A_118 = tpu.memref_slice %arg4[%mul3A_113, %dma_start3A_117] : memref<10000x256xf32, #tpu.memory_space<hbm>> -> memref<80x256xf32, #tpu.memory_space<hbm>>
      tpu.enqueue_dma source(%arg9 : memref<80x256xf32, #tpu.memory_space<vmem>>) target(%dma_start3A_118 : memref<80x256xf32, #tpu.memory_space<hbm>>) target_semaphore(%arg21 : memref<!tpu.dma_semaphore, #tpu.memory_space<semaphore_mem>>)
    } else {
    }
    %add3A_61 = arith.constant 32 : i32
    %add3A_62 = arith.addi %add3A, %add3A_61 : i32
    %lt3A_63 = arith.constant 125 : i32
    %lt3A_64 = arith.cmpi slt, %add3A_62, %lt3A_63 : i32
    %convert_element_type3A_65 = arith.extui %lt3A_64 : i1 to i32
    %cond3A_66 = arith.constant 0 : i32
    %cond3A_67 = arith.cmpi ne, %convert_element_type3A_65, %cond3A_66 : i32
    scf.if %cond3A_67 {
      %add3A_110 = arith.constant 32 : i32
      %add3A_111 = arith.addi %add3A, %add3A_110 : i32
      %mul3A_112 = arith.constant 80 : i32
      %mul3A_113 = arith.muli %add3A_111, %mul3A_112 : i32
      %dma_wait3A = arith.constant 0 : i32
      %dma_wait3A_114 = arith.constant 0 : i32
      %dma_wait3A_115 = tpu.memref_slice %arg2[%dma_wait3A, %dma_wait3A_114] : memref<10000x256xf32, #tpu.memory_space<hbm>> -> memref<10000x256xf32, #tpu.memory_space<hbm>>
      tpu.wait_indirect_dma semaphore(%arg18 : memref<!tpu.dma_semaphore, #tpu.memory_space<semaphore_mem>>) src(%dma_wait3A_115 : memref<10000x256xf32, #tpu.memory_space<hbm>>) dst(%arg10 : memref<80x256xf32, #tpu.memory_space<vmem>>)
      %dma_start3A = arith.constant 0 : i32
      %dma_start3A_116 = tpu.memref_slice %arg4[%mul3A_113, %dma_start3A] : memref<10000x256xf32, #tpu.memory_space<hbm>> -> memref<80x256xf32, #tpu.memory_space<hbm>>
      %dma_start3A_117 = arith.constant 0 : i32
      %dma_start3A_118 = tpu.memref_slice %arg4[%mul3A_113, %dma_start3A_117] : memref<10000x256xf32, #tpu.memory_space<hbm>> -> memref<80x256xf32, #tpu.memory_space<hbm>>
      tpu.enqueue_dma source(%arg10 : memref<80x256xf32, #tpu.memory_space<vmem>>) target(%dma_start3A_118 : memref<80x256xf32, #tpu.memory_space<hbm>>) target_semaphore(%arg22 : memref<!tpu.dma_semaphore, #tpu.memory_space<semaphore_mem>>)
    } else {
    }
    %add3A_68 = arith.constant 64 : i32
    %add3A_69 = arith.addi %add3A, %add3A_68 : i32
    %lt3A_70 = arith.constant 125 : i32
    %lt3A_71 = arith.cmpi slt, %add3A_69, %lt3A_70 : i32
    %convert_element_type3A_72 = arith.extui %lt3A_71 : i1 to i32
    %cond3A_73 = arith.constant 0 : i32
    %cond3A_74 = arith.cmpi ne, %convert_element_type3A_72, %cond3A_73 : i32
    scf.if %cond3A_74 {
      %add3A_110 = arith.constant 64 : i32
      %add3A_111 = arith.addi %add3A, %add3A_110 : i32
      %mul3A_112 = arith.constant 80 : i32
      %mul3A_113 = arith.muli %add3A_111, %mul3A_112 : i32
      %dma_wait3A = arith.constant 0 : i32
      %dma_wait3A_114 = arith.constant 0 : i32
      %dma_wait3A_115 = tpu.memref_slice %arg2[%dma_wait3A, %dma_wait3A_114] : memref<10000x256xf32, #tpu.memory_space<hbm>> -> memref<10000x256xf32, #tpu.memory_space<hbm>>
      tpu.wait_indirect_dma semaphore(%arg19 : memref<!tpu.dma_semaphore, #tpu.memory_space<semaphore_mem>>) src(%dma_wait3A_115 : memref<10000x256xf32, #tpu.memory_space<hbm>>) dst(%arg11 : memref<80x256xf32, #tpu.memory_space<vmem>>)
      %dma_start3A = arith.constant 0 : i32
      %dma_start3A_116 = tpu.memref_slice %arg4[%mul3A_113, %dma_start3A] : memref<10000x256xf32, #tpu.memory_space<hbm>> -> memref<80x256xf32, #tpu.memory_space<hbm>>
      %dma_start3A_117 = arith.constant 0 : i32
      %dma_start3A_118 = tpu.memref_slice %arg4[%mul3A_113, %dma_start3A_117] : memref<10000x256xf32, #tpu.memory_space<hbm>> -> memref<80x256xf32, #tpu.memory_space<hbm>>
      tpu.enqueue_dma source(%arg11 : memref<80x256xf32, #tpu.memory_space<vmem>>) target(%dma_start3A_118 : memref<80x256xf32, #tpu.memory_space<hbm>>) target_semaphore(%arg23 : memref<!tpu.dma_semaphore, #tpu.memory_space<semaphore_mem>>)
    } else {
    }
    %add3A_75 = arith.constant 96 : i32
    %add3A_76 = arith.addi %add3A, %add3A_75 : i32
    %lt3A_77 = arith.constant 125 : i32
    %lt3A_78 = arith.cmpi slt, %add3A_76, %lt3A_77 : i32
    %convert_element_type3A_79 = arith.extui %lt3A_78 : i1 to i32
    %cond3A_80 = arith.constant 0 : i32
    %cond3A_81 = arith.cmpi ne, %convert_element_type3A_79, %cond3A_80 : i32
    scf.if %cond3A_81 {
      %add3A_110 = arith.constant 96 : i32
      %add3A_111 = arith.addi %add3A, %add3A_110 : i32
      %mul3A_112 = arith.constant 80 : i32
      %mul3A_113 = arith.muli %add3A_111, %mul3A_112 : i32
      %dma_wait3A = arith.constant 0 : i32
      %dma_wait3A_114 = arith.constant 0 : i32
      %dma_wait3A_115 = tpu.memref_slice %arg2[%dma_wait3A, %dma_wait3A_114] : memref<10000x256xf32, #tpu.memory_space<hbm>> -> memref<10000x256xf32, #tpu.memory_space<hbm>>
      tpu.wait_indirect_dma semaphore(%arg20 : memref<!tpu.dma_semaphore, #tpu.memory_space<semaphore_mem>>) src(%dma_wait3A_115 : memref<10000x256xf32, #tpu.memory_space<hbm>>) dst(%arg12 : memref<80x256xf32, #tpu.memory_space<vmem>>)
      %dma_start3A = arith.constant 0 : i32
      %dma_start3A_116 = tpu.memref_slice %arg4[%mul3A_113, %dma_start3A] : memref<10000x256xf32, #tpu.memory_space<hbm>> -> memref<80x256xf32, #tpu.memory_space<hbm>>
      %dma_start3A_117 = arith.constant 0 : i32
      %dma_start3A_118 = tpu.memref_slice %arg4[%mul3A_113, %dma_start3A_117] : memref<10000x256xf32, #tpu.memory_space<hbm>> -> memref<80x256xf32, #tpu.memory_space<hbm>>
      tpu.enqueue_dma source(%arg12 : memref<80x256xf32, #tpu.memory_space<vmem>>) target(%dma_start3A_118 : memref<80x256xf32, #tpu.memory_space<hbm>>) target_semaphore(%arg24 : memref<!tpu.dma_semaphore, #tpu.memory_space<semaphore_mem>>)
    } else {
    }
    %add3A_82 = arith.constant 0 : i32
    %add3A_83 = arith.addi %add3A, %add3A_82 : i32
    %lt3A_84 = arith.constant 125 : i32
    %lt3A_85 = arith.cmpi slt, %add3A_83, %lt3A_84 : i32
    %convert_element_type3A_86 = arith.extui %lt3A_85 : i1 to i32
    %cond3A_87 = arith.constant 0 : i32
    %cond3A_88 = arith.cmpi ne, %convert_element_type3A_86, %cond3A_87 : i32
    scf.if %cond3A_88 {
      %add3A_110 = arith.constant 0 : i32
      %add3A_111 = arith.addi %add3A, %add3A_110 : i32
      %mul3A_112 = arith.constant 80 : i32
      %mul3A_113 = arith.muli %add3A_111, %mul3A_112 : i32
      %dma_wait3A = arith.constant 0 : i32
      %dma_wait3A_114 = tpu.memref_slice %arg4[%mul3A_113, %dma_wait3A] : memref<10000x256xf32, #tpu.memory_space<hbm>> -> memref<80x256xf32, #tpu.memory_space<hbm>>
      %dma_wait3A_115 = arith.constant 0 : i32
      %dma_wait3A_116 = tpu.memref_slice %arg4[%mul3A_113, %dma_wait3A_115] : memref<10000x256xf32, #tpu.memory_space<hbm>> -> memref<80x256xf32, #tpu.memory_space<hbm>>
      tpu.wait_dma2 semaphore(%arg21 : memref<!tpu.dma_semaphore, #tpu.memory_space<semaphore_mem>>) src(%arg9 : memref<80x256xf32, #tpu.memory_space<vmem>>) dst(%dma_wait3A_116 : memref<80x256xf32, #tpu.memory_space<hbm>>)
    } else {
    }
    %add3A_89 = arith.constant 32 : i32
    %add3A_90 = arith.addi %add3A, %add3A_89 : i32
    %lt3A_91 = arith.constant 125 : i32
    %lt3A_92 = arith.cmpi slt, %add3A_90, %lt3A_91 : i32
    %convert_element_type3A_93 = arith.extui %lt3A_92 : i1 to i32
    %cond3A_94 = arith.constant 0 : i32
    %cond3A_95 = arith.cmpi ne, %convert_element_type3A_93, %cond3A_94 : i32
    scf.if %cond3A_95 {
      %add3A_110 = arith.constant 32 : i32
      %add3A_111 = arith.addi %add3A, %add3A_110 : i32
      %mul3A_112 = arith.constant 80 : i32
      %mul3A_113 = arith.muli %add3A_111, %mul3A_112 : i32
      %dma_wait3A = arith.constant 0 : i32
      %dma_wait3A_114 = tpu.memref_slice %arg4[%mul3A_113, %dma_wait3A] : memref<10000x256xf32, #tpu.memory_space<hbm>> -> memref<80x256xf32, #tpu.memory_space<hbm>>
      %dma_wait3A_115 = arith.constant 0 : i32
      %dma_wait3A_116 = tpu.memref_slice %arg4[%mul3A_113, %dma_wait3A_115] : memref<10000x256xf32, #tpu.memory_space<hbm>> -> memref<80x256xf32, #tpu.memory_space<hbm>>
      tpu.wait_dma2 semaphore(%arg22 : memref<!tpu.dma_semaphore, #tpu.memory_space<semaphore_mem>>) src(%arg10 : memref<80x256xf32, #tpu.memory_space<vmem>>) dst(%dma_wait3A_116 : memref<80x256xf32, #tpu.memory_space<hbm>>)
    } else {
    }
    %add3A_96 = arith.constant 64 : i32
    %add3A_97 = arith.addi %add3A, %add3A_96 : i32
    %lt3A_98 = arith.constant 125 : i32
    %lt3A_99 = arith.cmpi slt, %add3A_97, %lt3A_98 : i32
    %convert_element_type3A_100 = arith.extui %lt3A_99 : i1 to i32
    %cond3A_101 = arith.constant 0 : i32
    %cond3A_102 = arith.cmpi ne, %convert_element_type3A_100, %cond3A_101 : i32
    scf.if %cond3A_102 {
      %add3A_110 = arith.constant 64 : i32
      %add3A_111 = arith.addi %add3A, %add3A_110 : i32
      %mul3A_112 = arith.constant 80 : i32
      %mul3A_113 = arith.muli %add3A_111, %mul3A_112 : i32
      %dma_wait3A = arith.constant 0 : i32
      %dma_wait3A_114 = tpu.memref_slice %arg4[%mul3A_113, %dma_wait3A] : memref<10000x256xf32, #tpu.memory_space<hbm>> -> memref<80x256xf32, #tpu.memory_space<hbm>>
      %dma_wait3A_115 = arith.constant 0 : i32
      %dma_wait3A_116 = tpu.memref_slice %arg4[%mul3A_113, %dma_wait3A_115] : memref<10000x256xf32, #tpu.memory_space<hbm>> -> memref<80x256xf32, #tpu.memory_space<hbm>>
      tpu.wait_dma2 semaphore(%arg23 : memref<!tpu.dma_semaphore, #tpu.memory_space<semaphore_mem>>) src(%arg11 : memref<80x256xf32, #tpu.memory_space<vmem>>) dst(%dma_wait3A_116 : memref<80x256xf32, #tpu.memory_space<hbm>>)
    } else {
    }
    %add3A_103 = arith.constant 96 : i32
    %add3A_104 = arith.addi %add3A, %add3A_103 : i32
    %lt3A_105 = arith.constant 125 : i32
    %lt3A_106 = arith.cmpi slt, %add3A_104, %lt3A_105 : i32
    %convert_element_type3A_107 = arith.extui %lt3A_106 : i1 to i32
    %cond3A_108 = arith.constant 0 : i32
    %cond3A_109 = arith.cmpi ne, %convert_element_type3A_107, %cond3A_108 : i32
    scf.if %cond3A_109 {
      %add3A_110 = arith.constant 96 : i32
      %add3A_111 = arith.addi %add3A, %add3A_110 : i32
      %mul3A_112 = arith.constant 80 : i32
      %mul3A_113 = arith.muli %add3A_111, %mul3A_112 : i32
      %dma_wait3A = arith.constant 0 : i32
      %dma_wait3A_114 = tpu.memref_slice %arg4[%mul3A_113, %dma_wait3A] : memref<10000x256xf32, #tpu.memory_space<hbm>> -> memref<80x256xf32, #tpu.memory_space<hbm>>
      %dma_wait3A_115 = arith.constant 0 : i32
      %dma_wait3A_116 = tpu.memref_slice %arg4[%mul3A_113, %dma_wait3A_115] : memref<10000x256xf32, #tpu.memory_space<hbm>> -> memref<80x256xf32, #tpu.memory_space<hbm>>
      tpu.wait_dma2 semaphore(%arg24 : memref<!tpu.dma_semaphore, #tpu.memory_space<semaphore_mem>>) src(%arg12 : memref<80x256xf32, #tpu.memory_space<vmem>>) dst(%dma_wait3A_116 : memref<80x256xf32, #tpu.memory_space<hbm>>)
    } else {
    }
    return
  }
}

#map = affine_map<(d0, d1) -> (0, 0)>
#map1 = affine_map<(d0, d1) -> (0)>
#map2 = affine_map<(d0, d1) -> (0, 0, 0)>
module attributes {stable_mosaic.version = 14 : i64} {
  func.func @_edge_body(%arg0: i32, %arg1: i32, %arg2: memref<60000x128xf32, #tpu.memory_space<hbm>>, %arg3: memref<320000xi32, #tpu.memory_space<hbm>>, %arg4: memref<16x125x80xi32, #tpu.memory_space<hbm>>, %arg5: memref<640x128xf32, #tpu.memory_space<hbm>>, %arg6: memref<20000x128xf32, #tpu.memory_space<hbm>>, %arg7: memref<10000x128xf32, #tpu.memory_space<vmem_shared>>, %arg8: memref<125x80xi32, #tpu.memory_space<vmem>>, %arg9: memref<80xi32, #tpu.memory_space<vmem>>, %arg10: memref<80xi32, #tpu.memory_space<vmem>>, %arg11: memref<80xi32, #tpu.memory_space<vmem>>, %arg12: memref<80x128xf32, #tpu.memory_space<vmem>>, %arg13: memref<80x128xf32, #tpu.memory_space<vmem>>, %arg14: memref<80x128xf32, #tpu.memory_space<vmem>>, %arg15: memref<!tpu.dma_semaphore, #tpu.memory_space<semaphore_mem>>, %arg16: memref<!tpu.dma_semaphore, #tpu.memory_space<semaphore_mem>>, %arg17: memref<!tpu.dma_semaphore, #tpu.memory_space<semaphore_mem>>, %arg18: memref<!tpu.dma_semaphore, #tpu.memory_space<semaphore_mem>>, %arg19: memref<!tpu.dma_semaphore, #tpu.memory_space<semaphore_mem>>, %arg20: memref<!tpu.dma_semaphore, #tpu.memory_space<semaphore_mem>>, %arg21: memref<!tpu.dma_semaphore, #tpu.memory_space<semaphore_mem>>, %arg22: memref<!tpu.dma_semaphore, #tpu.memory_space<semaphore_mem>>, %arg23: memref<!tpu.dma_semaphore, #tpu.memory_space<semaphore_mem>>) attributes {dimension_semantics = [#tpu.dimension_semantics<core_parallel>, #tpu.dimension_semantics<subcore_parallel>], iteration_bounds = array<i64: 2, 16>, scalar_prefetch = 0 : i64, scratch_operands = 17 : i64, tpu.core_type = #tpu.core_type<sc_vector_subcore>, window_params = [{transform_indices = #map}, {transform_indices = #map1}, {transform_indices = #map2}, {transform_indices = #map}, {transform_indices = #map}]} {
    %dma_start3A = arith.constant 0 : i32
    %dma_start3A_0 = arith.constant 0 : i32
    %dma_start3A_1 = tpu.memref_slice %arg4[%arg1, %dma_start3A, %dma_start3A_0] : memref<16x125x80xi32, #tpu.memory_space<hbm>> -> memref<1x125x80xi32, #tpu.memory_space<hbm>>
    %dma_start3A_2 = tpu.memref_squeeze %dma_start3A_1 : memref<1x125x80xi32, #tpu.memory_space<hbm>> -> memref<125x80xi32, #tpu.memory_space<hbm>>
    %dma_start3A_3 = arith.constant 0 : i32
    %dma_start3A_4 = arith.constant 0 : i32
    %dma_start3A_5 = tpu.memref_slice %arg4[%arg1, %dma_start3A_3, %dma_start3A_4] : memref<16x125x80xi32, #tpu.memory_space<hbm>> -> memref<1x125x80xi32, #tpu.memory_space<hbm>>
    %dma_start3A_6 = tpu.memref_squeeze %dma_start3A_5 : memref<1x125x80xi32, #tpu.memory_space<hbm>> -> memref<125x80xi32, #tpu.memory_space<hbm>>
    tpu.enqueue_dma source(%dma_start3A_6 : memref<125x80xi32, #tpu.memory_space<hbm>>) target(%arg8 : memref<125x80xi32, #tpu.memory_space<vmem>>) target_semaphore(%arg18 : memref<!tpu.dma_semaphore, #tpu.memory_space<semaphore_mem>>)
    %lt3A = arith.constant 15 : i32
    %lt3A_7 = arith.cmpi slt, %arg1, %lt3A : i32
    %convert_element_type3A = arith.extui %lt3A_7 : i1 to i32
    %cond3A = arith.constant 0 : i32
    %cond3A_8 = arith.cmpi ne, %convert_element_type3A, %cond3A : i32
    scf.if %cond3A_8 {
      %mul3A_72 = arith.constant 624 : i32
      %mul3A_73 = arith.muli %arg1, %mul3A_72 : i32
      %dma_start3A_74 = arith.constant 0 : i32
      %dma_start3A_75 = tpu.memref_slice %arg7[%mul3A_73, %dma_start3A_74] : memref<10000x128xf32, #tpu.memory_space<vmem_shared>> -> memref<624x128xf32, #tpu.memory_space<vmem_shared>>
      %dma_start3A_76 = arith.constant 0 : i32
      %dma_start3A_77 = arith.constant 0 : i32
      %dma_start3A_78 = tpu.memref_slice %arg5[%dma_start3A_76, %dma_start3A_77] : memref<640x128xf32, #tpu.memory_space<hbm>> -> memref<624x128xf32, #tpu.memory_space<hbm>>
      tpu.enqueue_dma source(%dma_start3A_78 : memref<624x128xf32, #tpu.memory_space<hbm>>) target(%dma_start3A_75 : memref<624x128xf32, #tpu.memory_space<vmem_shared>>) target_semaphore(%arg19 : memref<!tpu.dma_semaphore, #tpu.memory_space<semaphore_mem>>)
      %mul3A_79 = arith.constant 624 : i32
      %mul3A_80 = arith.muli %arg1, %mul3A_79 : i32
      %dma_wait3A_81 = arith.constant 0 : i32
      %dma_wait3A_82 = tpu.memref_slice %arg7[%mul3A_80, %dma_wait3A_81] : memref<10000x128xf32, #tpu.memory_space<vmem_shared>> -> memref<624x128xf32, #tpu.memory_space<vmem_shared>>
      %dma_wait3A_83 = arith.constant 0 : i32
      %dma_wait3A_84 = arith.constant 0 : i32
      %dma_wait3A_85 = tpu.memref_slice %arg5[%dma_wait3A_83, %dma_wait3A_84] : memref<640x128xf32, #tpu.memory_space<hbm>> -> memref<624x128xf32, #tpu.memory_space<hbm>>
      tpu.wait_dma2 semaphore(%arg19 : memref<!tpu.dma_semaphore, #tpu.memory_space<semaphore_mem>>) src(%dma_wait3A_85 : memref<624x128xf32, #tpu.memory_space<hbm>>) dst(%dma_wait3A_82 : memref<624x128xf32, #tpu.memory_space<vmem_shared>>)
    } else {
    }
    %eq3A = arith.constant 15 : i32
    %eq3A_9 = arith.cmpi eq, %arg1, %eq3A : i32
    %convert_element_type3A_10 = arith.extui %eq3A_9 : i1 to i32
    %cond3A_11 = arith.constant 0 : i32
    %cond3A_12 = arith.cmpi ne, %convert_element_type3A_10, %cond3A_11 : i32
    scf.if %cond3A_12 {
      %dma_start3A_72 = arith.constant 9360 : i32
      %dma_start3A_73 = arith.constant 0 : i32
      %dma_start3A_74 = tpu.memref_slice %arg7[%dma_start3A_72, %dma_start3A_73] : memref<10000x128xf32, #tpu.memory_space<vmem_shared>> -> memref<640x128xf32, #tpu.memory_space<vmem_shared>>
      tpu.enqueue_dma source(%arg5 : memref<640x128xf32, #tpu.memory_space<hbm>>) target(%dma_start3A_74 : memref<640x128xf32, #tpu.memory_space<vmem_shared>>) target_semaphore(%arg19 : memref<!tpu.dma_semaphore, #tpu.memory_space<semaphore_mem>>)
      %dma_wait3A_75 = arith.constant 9360 : i32
      %dma_wait3A_76 = arith.constant 0 : i32
      %dma_wait3A_77 = tpu.memref_slice %arg7[%dma_wait3A_75, %dma_wait3A_76] : memref<10000x128xf32, #tpu.memory_space<vmem_shared>> -> memref<640x128xf32, #tpu.memory_space<vmem_shared>>
      tpu.wait_dma2 semaphore(%arg19 : memref<!tpu.dma_semaphore, #tpu.memory_space<semaphore_mem>>) src(%arg5 : memref<640x128xf32, #tpu.memory_space<hbm>>) dst(%dma_wait3A_77 : memref<640x128xf32, #tpu.memory_space<vmem_shared>>)
    } else {
    }
    %dma_wait3A = arith.constant 0 : i32
    %dma_wait3A_13 = arith.constant 0 : i32
    %dma_wait3A_14 = tpu.memref_slice %arg4[%arg1, %dma_wait3A, %dma_wait3A_13] : memref<16x125x80xi32, #tpu.memory_space<hbm>> -> memref<1x125x80xi32, #tpu.memory_space<hbm>>
    %dma_wait3A_15 = tpu.memref_squeeze %dma_wait3A_14 : memref<1x125x80xi32, #tpu.memory_space<hbm>> -> memref<125x80xi32, #tpu.memory_space<hbm>>
    %dma_wait3A_16 = arith.constant 0 : i32
    %dma_wait3A_17 = arith.constant 0 : i32
    %dma_wait3A_18 = tpu.memref_slice %arg4[%arg1, %dma_wait3A_16, %dma_wait3A_17] : memref<16x125x80xi32, #tpu.memory_space<hbm>> -> memref<1x125x80xi32, #tpu.memory_space<hbm>>
    %dma_wait3A_19 = tpu.memref_squeeze %dma_wait3A_18 : memref<1x125x80xi32, #tpu.memory_space<hbm>> -> memref<125x80xi32, #tpu.memory_space<hbm>>
    tpu.wait_dma2 semaphore(%arg18 : memref<!tpu.dma_semaphore, #tpu.memory_space<semaphore_mem>>) src(%dma_wait3A_19 : memref<125x80xi32, #tpu.memory_space<hbm>>) dst(%arg8 : memref<125x80xi32, #tpu.memory_space<vmem>>)
    %mul3A = arith.constant 160000 : i32
    %mul3A_20 = arith.muli %arg0, %mul3A : i32
    %mul3A_21 = arith.constant 10000 : i32
    %mul3A_22 = arith.muli %arg1, %mul3A_21 : i32
    %add3A = arith.addi %mul3A_20, %mul3A_22 : i32
    %add3A_23 = arith.constant 0 : i32
    %add3A_24 = arith.addi %add3A, %add3A_23 : i32
    %dma_start3A_25 = tpu.memref_slice %arg3[%add3A_24] : memref<320000xi32, #tpu.memory_space<hbm>> -> memref<80xi32, #tpu.memory_space<hbm>>
    %dma_start3A_26 = tpu.memref_slice %arg3[%add3A_24] : memref<320000xi32, #tpu.memory_space<hbm>> -> memref<80xi32, #tpu.memory_space<hbm>>
    tpu.enqueue_dma source(%dma_start3A_26 : memref<80xi32, #tpu.memory_space<hbm>>) target(%arg9 : memref<80xi32, #tpu.memory_space<vmem>>) target_semaphore(%arg21 : memref<!tpu.dma_semaphore, #tpu.memory_space<semaphore_mem>>)
    %add3A_27 = arith.constant 80 : i32
    %add3A_28 = arith.addi %add3A, %add3A_27 : i32
    %dma_start3A_29 = tpu.memref_slice %arg3[%add3A_28] : memref<320000xi32, #tpu.memory_space<hbm>> -> memref<80xi32, #tpu.memory_space<hbm>>
    %dma_start3A_30 = tpu.memref_slice %arg3[%add3A_28] : memref<320000xi32, #tpu.memory_space<hbm>> -> memref<80xi32, #tpu.memory_space<hbm>>
    tpu.enqueue_dma source(%dma_start3A_30 : memref<80xi32, #tpu.memory_space<hbm>>) target(%arg10 : memref<80xi32, #tpu.memory_space<vmem>>) target_semaphore(%arg22 : memref<!tpu.dma_semaphore, #tpu.memory_space<semaphore_mem>>)
    %add3A_31 = arith.constant 160 : i32
    %add3A_32 = arith.addi %add3A, %add3A_31 : i32
    %dma_start3A_33 = tpu.memref_slice %arg3[%add3A_32] : memref<320000xi32, #tpu.memory_space<hbm>> -> memref<80xi32, #tpu.memory_space<hbm>>
    %dma_start3A_34 = tpu.memref_slice %arg3[%add3A_32] : memref<320000xi32, #tpu.memory_space<hbm>> -> memref<80xi32, #tpu.memory_space<hbm>>
    tpu.enqueue_dma source(%dma_start3A_34 : memref<80xi32, #tpu.memory_space<hbm>>) target(%arg11 : memref<80xi32, #tpu.memory_space<vmem>>) target_semaphore(%arg23 : memref<!tpu.dma_semaphore, #tpu.memory_space<semaphore_mem>>)
    %barrier3A = arith.constant 0 : index
    tpu.barrier barrier_id(%barrier3A)
    %add3A_35 = arith.constant 0 : i32
    %add3A_36 = arith.addi %add3A, %add3A_35 : i32
    %dma_wait3A_37 = tpu.memref_slice %arg3[%add3A_36] : memref<320000xi32, #tpu.memory_space<hbm>> -> memref<80xi32, #tpu.memory_space<hbm>>
    %dma_wait3A_38 = tpu.memref_slice %arg3[%add3A_36] : memref<320000xi32, #tpu.memory_space<hbm>> -> memref<80xi32, #tpu.memory_space<hbm>>
    tpu.wait_dma2 semaphore(%arg21 : memref<!tpu.dma_semaphore, #tpu.memory_space<semaphore_mem>>) src(%dma_wait3A_38 : memref<80xi32, #tpu.memory_space<hbm>>) dst(%arg9 : memref<80xi32, #tpu.memory_space<vmem>>)
    %dma_start3A_39 = arith.constant 0 : i32
    %dma_start3A_40 = arith.constant 0 : i32
    %dma_start3A_41 = tpu.memref_slice %arg2[%dma_start3A_39, %dma_start3A_40] : memref<60000x128xf32, #tpu.memory_space<hbm>> -> memref<60000x128xf32, #tpu.memory_space<hbm>>
    tpu.enqueue_indirect_dma source(%dma_start3A_41 : memref<60000x128xf32, #tpu.memory_space<hbm>>) target(%arg12 : memref<80x128xf32, #tpu.memory_space<vmem>>) offsets(%arg9 : memref<80xi32, #tpu.memory_space<vmem>>) semaphore(%arg15 : memref<!tpu.dma_semaphore, #tpu.memory_space<semaphore_mem>>)
    %add3A_42 = arith.constant 80 : i32
    %add3A_43 = arith.addi %add3A, %add3A_42 : i32
    %dma_wait3A_44 = tpu.memref_slice %arg3[%add3A_43] : memref<320000xi32, #tpu.memory_space<hbm>> -> memref<80xi32, #tpu.memory_space<hbm>>
    %dma_wait3A_45 = tpu.memref_slice %arg3[%add3A_43] : memref<320000xi32, #tpu.memory_space<hbm>> -> memref<80xi32, #tpu.memory_space<hbm>>
    tpu.wait_dma2 semaphore(%arg22 : memref<!tpu.dma_semaphore, #tpu.memory_space<semaphore_mem>>) src(%dma_wait3A_45 : memref<80xi32, #tpu.memory_space<hbm>>) dst(%arg10 : memref<80xi32, #tpu.memory_space<vmem>>)
    %dma_start3A_46 = arith.constant 0 : i32
    %dma_start3A_47 = arith.constant 0 : i32
    %dma_start3A_48 = tpu.memref_slice %arg2[%dma_start3A_46, %dma_start3A_47] : memref<60000x128xf32, #tpu.memory_space<hbm>> -> memref<60000x128xf32, #tpu.memory_space<hbm>>
    tpu.enqueue_indirect_dma source(%dma_start3A_48 : memref<60000x128xf32, #tpu.memory_space<hbm>>) target(%arg13 : memref<80x128xf32, #tpu.memory_space<vmem>>) offsets(%arg10 : memref<80xi32, #tpu.memory_space<vmem>>) semaphore(%arg16 : memref<!tpu.dma_semaphore, #tpu.memory_space<semaphore_mem>>)
    %scan3A = arith.constant 0 : i32
    %scan3A_49 = arith.constant 0 : i32
    %scan3A_50 = arith.constant 42 : i32
    %scan3A_51 = arith.addi %scan3A_49, %scan3A_50 : i32
    %scan3A_52 = arith.constant 1 : i32
    scf.for %scan3A_72 = %scan3A_49 to %scan3A_51 step %scan3A_52  : i32 {
      %mul3A_73 = arith.constant 3 : i32
      %mul3A_74 = arith.muli %mul3A_73, %scan3A_72 : i32
      %add3A_75 = arith.constant 0 : i32
      %add3A_76 = arith.addi %mul3A_74, %add3A_75 : i32
      %lt3A_77 = arith.constant 125 : i32
      %lt3A_78 = arith.cmpi slt, %add3A_76, %lt3A_77 : i32
      %convert_element_type3A_79 = arith.extui %lt3A_78 : i1 to i32
      %cond3A_80 = arith.constant 0 : i32
      %cond3A_81 = arith.cmpi ne, %convert_element_type3A_79, %cond3A_80 : i32
      scf.if %cond3A_81 {
        %dma_wait3A_100 = arith.constant 0 : i32
        %dma_wait3A_101 = arith.constant 0 : i32
        %dma_wait3A_102 = tpu.memref_slice %arg2[%dma_wait3A_100, %dma_wait3A_101] : memref<60000x128xf32, #tpu.memory_space<hbm>> -> memref<60000x128xf32, #tpu.memory_space<hbm>>
        tpu.wait_indirect_dma semaphore(%arg15 : memref<!tpu.dma_semaphore, #tpu.memory_space<semaphore_mem>>) src(%dma_wait3A_102 : memref<60000x128xf32, #tpu.memory_space<hbm>>) dst(%arg12 : memref<80x128xf32, #tpu.memory_space<vmem>>)
        %dma_start3A_103 = arith.constant 0 : i32
        %dma_start3A_104 = tpu.memref_slice %arg8[%add3A_76, %dma_start3A_103] : memref<125x80xi32, #tpu.memory_space<vmem>> -> memref<1x80xi32, #tpu.memory_space<vmem>>
        %dma_start3A_105 = tpu.memref_squeeze %dma_start3A_104 : memref<1x80xi32, #tpu.memory_space<vmem>> -> memref<80xi32, #tpu.memory_space<vmem>>
        %dma_start3A_106 = arith.constant 0 : i32
        %dma_start3A_107 = arith.constant 0 : i32
        %dma_start3A_108 = tpu.memref_slice %arg7[%dma_start3A_106, %dma_start3A_107] : memref<10000x128xf32, #tpu.memory_space<vmem_shared>> -> memref<10000x128xf32, #tpu.memory_space<vmem_shared>>
        tpu.enqueue_indirect_dma source(%arg12 : memref<80x128xf32, #tpu.memory_space<vmem>>) target(%dma_start3A_108 : memref<10000x128xf32, #tpu.memory_space<vmem_shared>>) offsets(%dma_start3A_105 : memref<80xi32, #tpu.memory_space<vmem>>) semaphore(%arg18 : memref<!tpu.dma_semaphore, #tpu.memory_space<semaphore_mem>>) {add = true}
        %ge3A = arith.constant 1 : i32
        %ge3A_109 = arith.cmpi sge, %add3A_76, %ge3A : i32
        %convert_element_type3A_110 = arith.extui %ge3A_109 : i1 to i32
        %cond3A_111 = arith.constant 0 : i32
        %cond3A_112 = arith.cmpi ne, %convert_element_type3A_110, %cond3A_111 : i32
        scf.if %cond3A_112 {
          %sub3A = arith.constant 1 : i32
          %sub3A_127 = arith.subi %add3A_76, %sub3A : i32
          %dma_wait3A_128 = arith.constant 0 : i32
          %dma_wait3A_129 = tpu.memref_slice %arg8[%sub3A_127, %dma_wait3A_128] : memref<125x80xi32, #tpu.memory_space<vmem>> -> memref<1x80xi32, #tpu.memory_space<vmem>>
          %dma_wait3A_130 = tpu.memref_squeeze %dma_wait3A_129 : memref<1x80xi32, #tpu.memory_space<vmem>> -> memref<80xi32, #tpu.memory_space<vmem>>
          %dma_wait3A_131 = arith.constant 0 : i32
          %dma_wait3A_132 = arith.constant 0 : i32
          %dma_wait3A_133 = tpu.memref_slice %arg7[%dma_wait3A_131, %dma_wait3A_132] : memref<10000x128xf32, #tpu.memory_space<vmem_shared>> -> memref<10000x128xf32, #tpu.memory_space<vmem_shared>>
          tpu.wait_indirect_dma semaphore(%arg20 : memref<!tpu.dma_semaphore, #tpu.memory_space<semaphore_mem>>) src(%arg14 : memref<80x128xf32, #tpu.memory_space<vmem>>) dst(%dma_wait3A_133 : memref<10000x128xf32, #tpu.memory_space<vmem_shared>>)
        } else {
        }
        %add3A_113 = arith.constant 2 : i32
        %add3A_114 = arith.addi %add3A_76, %add3A_113 : i32
        %lt3A_115 = arith.constant 125 : i32
        %lt3A_116 = arith.cmpi slt, %add3A_114, %lt3A_115 : i32
        %convert_element_type3A_117 = arith.extui %lt3A_116 : i1 to i32
        %cond3A_118 = arith.constant 0 : i32
        %cond3A_119 = arith.cmpi ne, %convert_element_type3A_117, %cond3A_118 : i32
        scf.if %cond3A_119 {
          %add3A_127 = arith.constant 2 : i32
          %add3A_128 = arith.addi %add3A_76, %add3A_127 : i32
          %mul3A_129 = arith.constant 80 : i32
          %mul3A_130 = arith.muli %add3A_128, %mul3A_129 : i32
          %add3A_131 = arith.addi %add3A, %mul3A_130 : i32
          %dma_wait3A_132 = tpu.memref_slice %arg3[%add3A_131] : memref<320000xi32, #tpu.memory_space<hbm>> -> memref<80xi32, #tpu.memory_space<hbm>>
          %dma_wait3A_133 = tpu.memref_slice %arg3[%add3A_131] : memref<320000xi32, #tpu.memory_space<hbm>> -> memref<80xi32, #tpu.memory_space<hbm>>
          tpu.wait_dma2 semaphore(%arg23 : memref<!tpu.dma_semaphore, #tpu.memory_space<semaphore_mem>>) src(%dma_wait3A_133 : memref<80xi32, #tpu.memory_space<hbm>>) dst(%arg11 : memref<80xi32, #tpu.memory_space<vmem>>)
          %add3A_134 = arith.constant 2 : i32
          %add3A_135 = arith.addi %add3A_76, %add3A_134 : i32
          %dma_start3A_136 = arith.constant 0 : i32
          %dma_start3A_137 = arith.constant 0 : i32
          %dma_start3A_138 = tpu.memref_slice %arg2[%dma_start3A_136, %dma_start3A_137] : memref<60000x128xf32, #tpu.memory_space<hbm>> -> memref<60000x128xf32, #tpu.memory_space<hbm>>
          tpu.enqueue_indirect_dma source(%dma_start3A_138 : memref<60000x128xf32, #tpu.memory_space<hbm>>) target(%arg14 : memref<80x128xf32, #tpu.memory_space<vmem>>) offsets(%arg11 : memref<80xi32, #tpu.memory_space<vmem>>) semaphore(%arg17 : memref<!tpu.dma_semaphore, #tpu.memory_space<semaphore_mem>>)
        } else {
        }
        %add3A_120 = arith.constant 3 : i32
        %add3A_121 = arith.addi %add3A_76, %add3A_120 : i32
        %lt3A_122 = arith.constant 125 : i32
        %lt3A_123 = arith.cmpi slt, %add3A_121, %lt3A_122 : i32
        %convert_element_type3A_124 = arith.extui %lt3A_123 : i1 to i32
        %cond3A_125 = arith.constant 0 : i32
        %cond3A_126 = arith.cmpi ne, %convert_element_type3A_124, %cond3A_125 : i32
        scf.if %cond3A_126 {
          %add3A_127 = arith.constant 3 : i32
          %add3A_128 = arith.addi %add3A_76, %add3A_127 : i32
          %mul3A_129 = arith.constant 80 : i32
          %mul3A_130 = arith.muli %add3A_128, %mul3A_129 : i32
          %add3A_131 = arith.addi %add3A, %mul3A_130 : i32
          %dma_start3A_132 = tpu.memref_slice %arg3[%add3A_131] : memref<320000xi32, #tpu.memory_space<hbm>> -> memref<80xi32, #tpu.memory_space<hbm>>
          %dma_start3A_133 = tpu.memref_slice %arg3[%add3A_131] : memref<320000xi32, #tpu.memory_space<hbm>> -> memref<80xi32, #tpu.memory_space<hbm>>
          tpu.enqueue_dma source(%dma_start3A_133 : memref<80xi32, #tpu.memory_space<hbm>>) target(%arg9 : memref<80xi32, #tpu.memory_space<vmem>>) target_semaphore(%arg21 : memref<!tpu.dma_semaphore, #tpu.memory_space<semaphore_mem>>)
        } else {
        }
      } else {
      }
      %mul3A_82 = arith.constant 3 : i32
      %mul3A_83 = arith.muli %mul3A_82, %scan3A_72 : i32
      %add3A_84 = arith.constant 1 : i32
      %add3A_85 = arith.addi %mul3A_83, %add3A_84 : i32
      %lt3A_86 = arith.constant 125 : i32
      %lt3A_87 = arith.cmpi slt, %add3A_85, %lt3A_86 : i32
      %convert_element_type3A_88 = arith.extui %lt3A_87 : i1 to i32
      %cond3A_89 = arith.constant 0 : i32
      %cond3A_90 = arith.cmpi ne, %convert_element_type3A_88, %cond3A_89 : i32
      scf.if %cond3A_90 {
        %dma_wait3A_100 = arith.constant 0 : i32
        %dma_wait3A_101 = arith.constant 0 : i32
        %dma_wait3A_102 = tpu.memref_slice %arg2[%dma_wait3A_100, %dma_wait3A_101] : memref<60000x128xf32, #tpu.memory_space<hbm>> -> memref<60000x128xf32, #tpu.memory_space<hbm>>
        tpu.wait_indirect_dma semaphore(%arg16 : memref<!tpu.dma_semaphore, #tpu.memory_space<semaphore_mem>>) src(%dma_wait3A_102 : memref<60000x128xf32, #tpu.memory_space<hbm>>) dst(%arg13 : memref<80x128xf32, #tpu.memory_space<vmem>>)
        %dma_start3A_103 = arith.constant 0 : i32
        %dma_start3A_104 = tpu.memref_slice %arg8[%add3A_85, %dma_start3A_103] : memref<125x80xi32, #tpu.memory_space<vmem>> -> memref<1x80xi32, #tpu.memory_space<vmem>>
        %dma_start3A_105 = tpu.memref_squeeze %dma_start3A_104 : memref<1x80xi32, #tpu.memory_space<vmem>> -> memref<80xi32, #tpu.memory_space<vmem>>
        %dma_start3A_106 = arith.constant 0 : i32
        %dma_start3A_107 = arith.constant 0 : i32
        %dma_start3A_108 = tpu.memref_slice %arg7[%dma_start3A_106, %dma_start3A_107] : memref<10000x128xf32, #tpu.memory_space<vmem_shared>> -> memref<10000x128xf32, #tpu.memory_space<vmem_shared>>
        tpu.enqueue_indirect_dma source(%arg13 : memref<80x128xf32, #tpu.memory_space<vmem>>) target(%dma_start3A_108 : memref<10000x128xf32, #tpu.memory_space<vmem_shared>>) offsets(%dma_start3A_105 : memref<80xi32, #tpu.memory_space<vmem>>) semaphore(%arg19 : memref<!tpu.dma_semaphore, #tpu.memory_space<semaphore_mem>>) {add = true}
        %ge3A = arith.constant 1 : i32
        %ge3A_109 = arith.cmpi sge, %add3A_85, %ge3A : i32
        %convert_element_type3A_110 = arith.extui %ge3A_109 : i1 to i32
        %cond3A_111 = arith.constant 0 : i32
        %cond3A_112 = arith.cmpi ne, %convert_element_type3A_110, %cond3A_111 : i32
        scf.if %cond3A_112 {
          %sub3A = arith.constant 1 : i32
          %sub3A_127 = arith.subi %add3A_85, %sub3A : i32
          %dma_wait3A_128 = arith.constant 0 : i32
          %dma_wait3A_129 = tpu.memref_slice %arg8[%sub3A_127, %dma_wait3A_128] : memref<125x80xi32, #tpu.memory_space<vmem>> -> memref<1x80xi32, #tpu.memory_space<vmem>>
          %dma_wait3A_130 = tpu.memref_squeeze %dma_wait3A_129 : memref<1x80xi32, #tpu.memory_space<vmem>> -> memref<80xi32, #tpu.memory_space<vmem>>
          %dma_wait3A_131 = arith.constant 0 : i32
          %dma_wait3A_132 = arith.constant 0 : i32
          %dma_wait3A_133 = tpu.memref_slice %arg7[%dma_wait3A_131, %dma_wait3A_132] : memref<10000x128xf32, #tpu.memory_space<vmem_shared>> -> memref<10000x128xf32, #tpu.memory_space<vmem_shared>>
          tpu.wait_indirect_dma semaphore(%arg18 : memref<!tpu.dma_semaphore, #tpu.memory_space<semaphore_mem>>) src(%arg12 : memref<80x128xf32, #tpu.memory_space<vmem>>) dst(%dma_wait3A_133 : memref<10000x128xf32, #tpu.memory_space<vmem_shared>>)
        } else {
        }
        %add3A_113 = arith.constant 2 : i32
        %add3A_114 = arith.addi %add3A_85, %add3A_113 : i32
        %lt3A_115 = arith.constant 125 : i32
        %lt3A_116 = arith.cmpi slt, %add3A_114, %lt3A_115 : i32
        %convert_element_type3A_117 = arith.extui %lt3A_116 : i1 to i32
        %cond3A_118 = arith.constant 0 : i32
        %cond3A_119 = arith.cmpi ne, %convert_element_type3A_117, %cond3A_118 : i32
        scf.if %cond3A_119 {
          %add3A_127 = arith.constant 2 : i32
          %add3A_128 = arith.addi %add3A_85, %add3A_127 : i32
          %mul3A_129 = arith.constant 80 : i32
          %mul3A_130 = arith.muli %add3A_128, %mul3A_129 : i32
          %add3A_131 = arith.addi %add3A, %mul3A_130 : i32
          %dma_wait3A_132 = tpu.memref_slice %arg3[%add3A_131] : memref<320000xi32, #tpu.memory_space<hbm>> -> memref<80xi32, #tpu.memory_space<hbm>>
          %dma_wait3A_133 = tpu.memref_slice %arg3[%add3A_131] : memref<320000xi32, #tpu.memory_space<hbm>> -> memref<80xi32, #tpu.memory_space<hbm>>
          tpu.wait_dma2 semaphore(%arg21 : memref<!tpu.dma_semaphore, #tpu.memory_space<semaphore_mem>>) src(%dma_wait3A_133 : memref<80xi32, #tpu.memory_space<hbm>>) dst(%arg9 : memref<80xi32, #tpu.memory_space<vmem>>)
          %add3A_134 = arith.constant 2 : i32
          %add3A_135 = arith.addi %add3A_85, %add3A_134 : i32
          %dma_start3A_136 = arith.constant 0 : i32
          %dma_start3A_137 = arith.constant 0 : i32
          %dma_start3A_138 = tpu.memref_slice %arg2[%dma_start3A_136, %dma_start3A_137] : memref<60000x128xf32, #tpu.memory_space<hbm>> -> memref<60000x128xf32, #tpu.memory_space<hbm>>
          tpu.enqueue_indirect_dma source(%dma_start3A_138 : memref<60000x128xf32, #tpu.memory_space<hbm>>) target(%arg12 : memref<80x128xf32, #tpu.memory_space<vmem>>) offsets(%arg9 : memref<80xi32, #tpu.memory_space<vmem>>) semaphore(%arg15 : memref<!tpu.dma_semaphore, #tpu.memory_space<semaphore_mem>>)
        } else {
        }
        %add3A_120 = arith.constant 3 : i32
        %add3A_121 = arith.addi %add3A_85, %add3A_120 : i32
        %lt3A_122 = arith.constant 125 : i32
        %lt3A_123 = arith.cmpi slt, %add3A_121, %lt3A_122 : i32
        %convert_element_type3A_124 = arith.extui %lt3A_123 : i1 to i32
        %cond3A_125 = arith.constant 0 : i32
        %cond3A_126 = arith.cmpi ne, %convert_element_type3A_124, %cond3A_125 : i32
        scf.if %cond3A_126 {
          %add3A_127 = arith.constant 3 : i32
          %add3A_128 = arith.addi %add3A_85, %add3A_127 : i32
          %mul3A_129 = arith.constant 80 : i32
          %mul3A_130 = arith.muli %add3A_128, %mul3A_129 : i32
          %add3A_131 = arith.addi %add3A, %mul3A_130 : i32
          %dma_start3A_132 = tpu.memref_slice %arg3[%add3A_131] : memref<320000xi32, #tpu.memory_space<hbm>> -> memref<80xi32, #tpu.memory_space<hbm>>
          %dma_start3A_133 = tpu.memref_slice %arg3[%add3A_131] : memref<320000xi32, #tpu.memory_space<hbm>> -> memref<80xi32, #tpu.memory_space<hbm>>
          tpu.enqueue_dma source(%dma_start3A_133 : memref<80xi32, #tpu.memory_space<hbm>>) target(%arg10 : memref<80xi32, #tpu.memory_space<vmem>>) target_semaphore(%arg22 : memref<!tpu.dma_semaphore, #tpu.memory_space<semaphore_mem>>)
        } else {
        }
      } else {
      }
      %mul3A_91 = arith.constant 3 : i32
      %mul3A_92 = arith.muli %mul3A_91, %scan3A_72 : i32
      %add3A_93 = arith.constant 2 : i32
      %add3A_94 = arith.addi %mul3A_92, %add3A_93 : i32
      %lt3A_95 = arith.constant 125 : i32
      %lt3A_96 = arith.cmpi slt, %add3A_94, %lt3A_95 : i32
      %convert_element_type3A_97 = arith.extui %lt3A_96 : i1 to i32
      %cond3A_98 = arith.constant 0 : i32
      %cond3A_99 = arith.cmpi ne, %convert_element_type3A_97, %cond3A_98 : i32
      scf.if %cond3A_99 {
        %dma_wait3A_100 = arith.constant 0 : i32
        %dma_wait3A_101 = arith.constant 0 : i32
        %dma_wait3A_102 = tpu.memref_slice %arg2[%dma_wait3A_100, %dma_wait3A_101] : memref<60000x128xf32, #tpu.memory_space<hbm>> -> memref<60000x128xf32, #tpu.memory_space<hbm>>
        tpu.wait_indirect_dma semaphore(%arg17 : memref<!tpu.dma_semaphore, #tpu.memory_space<semaphore_mem>>) src(%dma_wait3A_102 : memref<60000x128xf32, #tpu.memory_space<hbm>>) dst(%arg14 : memref<80x128xf32, #tpu.memory_space<vmem>>)
        %dma_start3A_103 = arith.constant 0 : i32
        %dma_start3A_104 = tpu.memref_slice %arg8[%add3A_94, %dma_start3A_103] : memref<125x80xi32, #tpu.memory_space<vmem>> -> memref<1x80xi32, #tpu.memory_space<vmem>>
        %dma_start3A_105 = tpu.memref_squeeze %dma_start3A_104 : memref<1x80xi32, #tpu.memory_space<vmem>> -> memref<80xi32, #tpu.memory_space<vmem>>
        %dma_start3A_106 = arith.constant 0 : i32
        %dma_start3A_107 = arith.constant 0 : i32
        %dma_start3A_108 = tpu.memref_slice %arg7[%dma_start3A_106, %dma_start3A_107] : memref<10000x128xf32, #tpu.memory_space<vmem_shared>> -> memref<10000x128xf32, #tpu.memory_space<vmem_shared>>
        tpu.enqueue_indirect_dma source(%arg14 : memref<80x128xf32, #tpu.memory_space<vmem>>) target(%dma_start3A_108 : memref<10000x128xf32, #tpu.memory_space<vmem_shared>>) offsets(%dma_start3A_105 : memref<80xi32, #tpu.memory_space<vmem>>) semaphore(%arg20 : memref<!tpu.dma_semaphore, #tpu.memory_space<semaphore_mem>>) {add = true}
        %ge3A = arith.constant 1 : i32
        %ge3A_109 = arith.cmpi sge, %add3A_94, %ge3A : i32
        %convert_element_type3A_110 = arith.extui %ge3A_109 : i1 to i32
        %cond3A_111 = arith.constant 0 : i32
        %cond3A_112 = arith.cmpi ne, %convert_element_type3A_110, %cond3A_111 : i32
        scf.if %cond3A_112 {
          %sub3A = arith.constant 1 : i32
          %sub3A_127 = arith.subi %add3A_94, %sub3A : i32
          %dma_wait3A_128 = arith.constant 0 : i32
          %dma_wait3A_129 = tpu.memref_slice %arg8[%sub3A_127, %dma_wait3A_128] : memref<125x80xi32, #tpu.memory_space<vmem>> -> memref<1x80xi32, #tpu.memory_space<vmem>>
          %dma_wait3A_130 = tpu.memref_squeeze %dma_wait3A_129 : memref<1x80xi32, #tpu.memory_space<vmem>> -> memref<80xi32, #tpu.memory_space<vmem>>
          %dma_wait3A_131 = arith.constant 0 : i32
          %dma_wait3A_132 = arith.constant 0 : i32
          %dma_wait3A_133 = tpu.memref_slice %arg7[%dma_wait3A_131, %dma_wait3A_132] : memref<10000x128xf32, #tpu.memory_space<vmem_shared>> -> memref<10000x128xf32, #tpu.memory_space<vmem_shared>>
          tpu.wait_indirect_dma semaphore(%arg19 : memref<!tpu.dma_semaphore, #tpu.memory_space<semaphore_mem>>) src(%arg13 : memref<80x128xf32, #tpu.memory_space<vmem>>) dst(%dma_wait3A_133 : memref<10000x128xf32, #tpu.memory_space<vmem_shared>>)
        } else {
        }
        %add3A_113 = arith.constant 2 : i32
        %add3A_114 = arith.addi %add3A_94, %add3A_113 : i32
        %lt3A_115 = arith.constant 125 : i32
        %lt3A_116 = arith.cmpi slt, %add3A_114, %lt3A_115 : i32
        %convert_element_type3A_117 = arith.extui %lt3A_116 : i1 to i32
        %cond3A_118 = arith.constant 0 : i32
        %cond3A_119 = arith.cmpi ne, %convert_element_type3A_117, %cond3A_118 : i32
        scf.if %cond3A_119 {
          %add3A_127 = arith.constant 2 : i32
          %add3A_128 = arith.addi %add3A_94, %add3A_127 : i32
          %mul3A_129 = arith.constant 80 : i32
          %mul3A_130 = arith.muli %add3A_128, %mul3A_129 : i32
          %add3A_131 = arith.addi %add3A, %mul3A_130 : i32
          %dma_wait3A_132 = tpu.memref_slice %arg3[%add3A_131] : memref<320000xi32, #tpu.memory_space<hbm>> -> memref<80xi32, #tpu.memory_space<hbm>>
          %dma_wait3A_133 = tpu.memref_slice %arg3[%add3A_131] : memref<320000xi32, #tpu.memory_space<hbm>> -> memref<80xi32, #tpu.memory_space<hbm>>
          tpu.wait_dma2 semaphore(%arg22 : memref<!tpu.dma_semaphore, #tpu.memory_space<semaphore_mem>>) src(%dma_wait3A_133 : memref<80xi32, #tpu.memory_space<hbm>>) dst(%arg10 : memref<80xi32, #tpu.memory_space<vmem>>)
          %add3A_134 = arith.constant 2 : i32
          %add3A_135 = arith.addi %add3A_94, %add3A_134 : i32
          %dma_start3A_136 = arith.constant 0 : i32
          %dma_start3A_137 = arith.constant 0 : i32
          %dma_start3A_138 = tpu.memref_slice %arg2[%dma_start3A_136, %dma_start3A_137] : memref<60000x128xf32, #tpu.memory_space<hbm>> -> memref<60000x128xf32, #tpu.memory_space<hbm>>
          tpu.enqueue_indirect_dma source(%dma_start3A_138 : memref<60000x128xf32, #tpu.memory_space<hbm>>) target(%arg13 : memref<80x128xf32, #tpu.memory_space<vmem>>) offsets(%arg10 : memref<80xi32, #tpu.memory_space<vmem>>) semaphore(%arg16 : memref<!tpu.dma_semaphore, #tpu.memory_space<semaphore_mem>>)
        } else {
        }
        %add3A_120 = arith.constant 3 : i32
        %add3A_121 = arith.addi %add3A_94, %add3A_120 : i32
        %lt3A_122 = arith.constant 125 : i32
        %lt3A_123 = arith.cmpi slt, %add3A_121, %lt3A_122 : i32
        %convert_element_type3A_124 = arith.extui %lt3A_123 : i1 to i32
        %cond3A_125 = arith.constant 0 : i32
        %cond3A_126 = arith.cmpi ne, %convert_element_type3A_124, %cond3A_125 : i32
        scf.if %cond3A_126 {
          %add3A_127 = arith.constant 3 : i32
          %add3A_128 = arith.addi %add3A_94, %add3A_127 : i32
          %mul3A_129 = arith.constant 80 : i32
          %mul3A_130 = arith.muli %add3A_128, %mul3A_129 : i32
          %add3A_131 = arith.addi %add3A, %mul3A_130 : i32
          %dma_start3A_132 = tpu.memref_slice %arg3[%add3A_131] : memref<320000xi32, #tpu.memory_space<hbm>> -> memref<80xi32, #tpu.memory_space<hbm>>
          %dma_start3A_133 = tpu.memref_slice %arg3[%add3A_131] : memref<320000xi32, #tpu.memory_space<hbm>> -> memref<80xi32, #tpu.memory_space<hbm>>
          tpu.enqueue_dma source(%dma_start3A_133 : memref<80xi32, #tpu.memory_space<hbm>>) target(%arg11 : memref<80xi32, #tpu.memory_space<vmem>>) target_semaphore(%arg23 : memref<!tpu.dma_semaphore, #tpu.memory_space<semaphore_mem>>)
        } else {
        }
      } else {
      }
    }
    %scan3A_53 = arith.constant 42 : i32
    %dma_wait3A_54 = arith.constant 124 : i32
    %dma_wait3A_55 = arith.constant 0 : i32
    %dma_wait3A_56 = tpu.memref_slice %arg8[%dma_wait3A_54, %dma_wait3A_55] : memref<125x80xi32, #tpu.memory_space<vmem>> -> memref<1x80xi32, #tpu.memory_space<vmem>>
    %dma_wait3A_57 = tpu.memref_squeeze %dma_wait3A_56 : memref<1x80xi32, #tpu.memory_space<vmem>> -> memref<80xi32, #tpu.memory_space<vmem>>
    %dma_wait3A_58 = arith.constant 0 : i32
    %dma_wait3A_59 = arith.constant 0 : i32
    %dma_wait3A_60 = tpu.memref_slice %arg7[%dma_wait3A_58, %dma_wait3A_59] : memref<10000x128xf32, #tpu.memory_space<vmem_shared>> -> memref<10000x128xf32, #tpu.memory_space<vmem_shared>>
    tpu.wait_indirect_dma semaphore(%arg19 : memref<!tpu.dma_semaphore, #tpu.memory_space<semaphore_mem>>) src(%arg13 : memref<80x128xf32, #tpu.memory_space<vmem>>) dst(%dma_wait3A_60 : memref<10000x128xf32, #tpu.memory_space<vmem_shared>>)
    %barrier3A_61 = arith.constant 0 : index
    tpu.barrier barrier_id(%barrier3A_61)
    %lt3A_62 = arith.constant 15 : i32
    %lt3A_63 = arith.cmpi slt, %arg1, %lt3A_62 : i32
    %convert_element_type3A_64 = arith.extui %lt3A_63 : i1 to i32
    %cond3A_65 = arith.constant 0 : i32
    %cond3A_66 = arith.cmpi ne, %convert_element_type3A_64, %cond3A_65 : i32
    scf.if %cond3A_66 {
      %mul3A_72 = arith.constant 624 : i32
      %mul3A_73 = arith.muli %arg1, %mul3A_72 : i32
      %mul3A_74 = arith.constant 10000 : i32
      %mul3A_75 = arith.muli %arg0, %mul3A_74 : i32
      %mul3A_76 = arith.constant 624 : i32
      %mul3A_77 = arith.muli %arg1, %mul3A_76 : i32
      %add3A_78 = arith.addi %mul3A_75, %mul3A_77 : i32
      "tpu.region"() ({
        %run_scoped3A = tpu.sem_alloc : memref<!tpu.dma_semaphore, #tpu.memory_space<semaphore_mem>>
        %dma_start3A_79 = arith.constant 0 : i32
        %dma_start3A_80 = tpu.memref_slice %arg6[%add3A_78, %dma_start3A_79] : memref<20000x128xf32, #tpu.memory_space<hbm>> -> memref<624x128xf32, #tpu.memory_space<hbm>>
        %dma_start3A_81 = arith.constant 0 : i32
        %dma_start3A_82 = tpu.memref_slice %arg7[%mul3A_73, %dma_start3A_81] : memref<10000x128xf32, #tpu.memory_space<vmem_shared>> -> memref<624x128xf32, #tpu.memory_space<vmem_shared>>
        tpu.enqueue_dma source(%dma_start3A_82 : memref<624x128xf32, #tpu.memory_space<vmem_shared>>) target(%dma_start3A_80 : memref<624x128xf32, #tpu.memory_space<hbm>>) target_semaphore(%run_scoped3A : memref<!tpu.dma_semaphore, #tpu.memory_space<semaphore_mem>>)
        %dma_wait3A_83 = arith.constant 0 : i32
        %dma_wait3A_84 = tpu.memref_slice %arg6[%add3A_78, %dma_wait3A_83] : memref<20000x128xf32, #tpu.memory_space<hbm>> -> memref<624x128xf32, #tpu.memory_space<hbm>>
        %dma_wait3A_85 = arith.constant 0 : i32
        %dma_wait3A_86 = tpu.memref_slice %arg7[%mul3A_73, %dma_wait3A_85] : memref<10000x128xf32, #tpu.memory_space<vmem_shared>> -> memref<624x128xf32, #tpu.memory_space<vmem_shared>>
        tpu.wait_dma2 semaphore(%run_scoped3A : memref<!tpu.dma_semaphore, #tpu.memory_space<semaphore_mem>>) src(%dma_wait3A_86 : memref<624x128xf32, #tpu.memory_space<vmem_shared>>) dst(%dma_wait3A_84 : memref<624x128xf32, #tpu.memory_space<hbm>>)
        tpu.yield
      }) : () -> ()
    } else {
    }
    %eq3A_67 = arith.constant 15 : i32
    %eq3A_68 = arith.cmpi eq, %arg1, %eq3A_67 : i32
    %convert_element_type3A_69 = arith.extui %eq3A_68 : i1 to i32
    %cond3A_70 = arith.constant 0 : i32
    %cond3A_71 = arith.cmpi ne, %convert_element_type3A_69, %cond3A_70 : i32
    scf.if %cond3A_71 {
      %mul3A_72 = arith.constant 10000 : i32
      %mul3A_73 = arith.muli %arg0, %mul3A_72 : i32
      %add3A_74 = arith.constant 9360 : i32
      %add3A_75 = arith.addi %mul3A_73, %add3A_74 : i32
      "tpu.region"() ({
        %run_scoped3A = tpu.sem_alloc : memref<!tpu.dma_semaphore, #tpu.memory_space<semaphore_mem>>
        %dma_start3A_76 = arith.constant 0 : i32
        %dma_start3A_77 = tpu.memref_slice %arg6[%add3A_75, %dma_start3A_76] : memref<20000x128xf32, #tpu.memory_space<hbm>> -> memref<640x128xf32, #tpu.memory_space<hbm>>
        %dma_start3A_78 = arith.constant 9360 : i32
        %dma_start3A_79 = arith.constant 0 : i32
        %dma_start3A_80 = tpu.memref_slice %arg7[%dma_start3A_78, %dma_start3A_79] : memref<10000x128xf32, #tpu.memory_space<vmem_shared>> -> memref<640x128xf32, #tpu.memory_space<vmem_shared>>
        tpu.enqueue_dma source(%dma_start3A_80 : memref<640x128xf32, #tpu.memory_space<vmem_shared>>) target(%dma_start3A_77 : memref<640x128xf32, #tpu.memory_space<hbm>>) target_semaphore(%run_scoped3A : memref<!tpu.dma_semaphore, #tpu.memory_space<semaphore_mem>>)
        %dma_wait3A_81 = arith.constant 0 : i32
        %dma_wait3A_82 = tpu.memref_slice %arg6[%add3A_75, %dma_wait3A_81] : memref<20000x128xf32, #tpu.memory_space<hbm>> -> memref<640x128xf32, #tpu.memory_space<hbm>>
        %dma_wait3A_83 = arith.constant 9360 : i32
        %dma_wait3A_84 = arith.constant 0 : i32
        %dma_wait3A_85 = tpu.memref_slice %arg7[%dma_wait3A_83, %dma_wait3A_84] : memref<10000x128xf32, #tpu.memory_space<vmem_shared>> -> memref<640x128xf32, #tpu.memory_space<vmem_shared>>
        tpu.wait_dma2 semaphore(%run_scoped3A : memref<!tpu.dma_semaphore, #tpu.memory_space<semaphore_mem>>) src(%dma_wait3A_85 : memref<640x128xf32, #tpu.memory_space<vmem_shared>>) dst(%dma_wait3A_82 : memref<640x128xf32, #tpu.memory_space<hbm>>)
        tpu.yield
      }) : () -> ()
    } else {
    }
    return
  }
}

module attributes {stable_mosaic.version = 14 : i64} {
  func.func @_msg_body(%arg0: i32, %arg1: i32, %arg2: memref<10000x256xf32, #tpu.memory_space<vmem>>, %arg3: memref<1x256x128xf32, #tpu.memory_space<vmem>>, %arg4: memref<10000x128xf32, #tpu.memory_space<vmem>>) attributes {dimension_semantics = [#tpu.dimension_semantics<arbitrary>, #tpu.dimension_semantics<arbitrary>], iteration_bounds = array<i64: 2, 3>, scalar_prefetch = 0 : i64, scratch_operands = 0 : i64, tpu.core_type = #tpu.core_type<tc>, window_params = [{pipeline_mode = #tpu.pipeline_mode<synchronous>, transform_indices = @transform_0, window_bounds = array<i64: 10000, 256>}, {transform_indices = @transform_1, window_bounds = array<i64: 1, 256, 128>}, {transform_indices = @transform_2, window_bounds = array<i64: 10000, 128>}]} {
    %get3A = arith.constant 0 : index
    %get3A_0 = arith.constant 0 : index
    %get3A_1 = vector.load %arg2[%get3A, %get3A_0] : memref<10000x256xf32, #tpu.memory_space<vmem>>, vector<10000x256xf32>
    %get3A_2 = arith.constant 0 : index
    %get3A_3 = arith.constant 0 : index
    %get3A_4 = arith.constant 0 : index
    %get3A_5 = vector.load %arg3[%get3A_2, %get3A_3, %get3A_4] : memref<1x256x128xf32, #tpu.memory_space<vmem>>, vector<1x256x128xf32>
    %get3A_6 = vector.shape_cast %get3A_5 : vector<1x256x128xf32> to vector<256x128xf32>
    %dot_general3A = arith.constant dense<0.000000e+00> : vector<10000x128xf32>
    %dot_general3A_7 = tpu.matmul %get3A_1, %get3A_6, %dot_general3A {dimension_numbers = #tpu.dot_dimension_numbers<[1], [0], [0], [1], [0, 0, 1, 1], [], []>, transpose_lhs_hint = false} : vector<10000x256xf32>, vector<256x128xf32>, vector<10000x128xf32> -> vector<10000x128xf32>
    %swap3A = arith.constant 0 : index
    %swap3A_8 = arith.constant 0 : index
    %swap3A_9 = vector.load %arg4[%swap3A, %swap3A_8] : memref<10000x128xf32, #tpu.memory_space<vmem>>, vector<10000x128xf32>
    tpu.vector_store %arg4[%swap3A, %swap3A_8], %dot_general3A_7 {strides = array<i32>} : memref<10000x128xf32, #tpu.memory_space<vmem>>, vector<10000x128xf32>,
    return
  }
  func.func @transform_0(%arg0: i32, %arg1: i32) -> (i32, i32) {
    %c0_i32 = arith.constant 0 : i32
    %c0_i32_0 = arith.constant 0 : i32
    %c0_i32_1 = arith.constant 0 : i32
    return %c0_i32, %c0_i32_0 : i32, i32
  }
  func.func @transform_1(%arg0: i32, %arg1: i32) -> (i32, i32, i32) {
    %c0_i32 = arith.constant 0 : i32
    %c0_i32_0 = arith.constant 0 : i32
    return %arg1, %c0_i32, %arg0 : i32, i32, i32
  }
  func.func @transform_2(%arg0: i32, %arg1: i32) -> (i32, i32) {
    %mul3A = arith.constant 3 : i32
    %mul3A_0 = arith.muli %arg0, %mul3A : i32
    %add3A = arith.addi %mul3A_0, %arg1 : i32
    %c0_i32 = arith.constant 0 : i32
    %c0_i32_1 = arith.constant 0 : i32
    return %add3A, %c0_i32 : i32, i32
  }
}

module attributes {stable_mosaic.version = 14 : i64} {
  func.func @_gru_body(%arg0: i32, %arg1: memref<2000x128xf32, #tpu.memory_space<vmem>>, %arg2: memref<2000x128xf32, #tpu.memory_space<vmem>>, %arg3: memref<2000x256xf32, #tpu.memory_space<vmem>>, %arg4: memref<128x256xf32, #tpu.memory_space<vmem>>, %arg5: memref<128x256xf32, #tpu.memory_space<vmem>>, %arg6: memref<256x256xf32, #tpu.memory_space<vmem>>, %arg7: memref<1x256xf32, #tpu.memory_space<vmem>>, %arg8: memref<128x256xf32, #tpu.memory_space<vmem>>, %arg9: memref<128x256xf32, #tpu.memory_space<vmem>>, %arg10: memref<256x256xf32, #tpu.memory_space<vmem>>, %arg11: memref<1x256xf32, #tpu.memory_space<vmem>>, %arg12: memref<128x256xf32, #tpu.memory_space<vmem>>, %arg13: memref<128x256xf32, #tpu.memory_space<vmem>>, %arg14: memref<256x256xf32, #tpu.memory_space<vmem>>, %arg15: memref<1x256xf32, #tpu.memory_space<vmem>>, %arg16: memref<1x256xf32, #tpu.memory_space<vmem>>, %arg17: memref<1x256xf32, #tpu.memory_space<vmem>>, %arg18: memref<2000x1xf32, #tpu.memory_space<vmem>>, %arg19: memref<2000x1xf32, #tpu.memory_space<vmem>>) attributes {dimension_semantics = [#tpu.dimension_semantics<arbitrary>], iteration_bounds = array<i64: 5>, scalar_prefetch = 0 : i64, scratch_operands = 0 : i64, tpu.core_type = #tpu.core_type<tc>, window_params = [{transform_indices = @transform_0, window_bounds = array<i64: 2000, 128>}, {transform_indices = @transform_1, window_bounds = array<i64: 2000, 128>}, {transform_indices = @transform_2, window_bounds = array<i64: 2000, 256>}, {pipeline_mode = #tpu.pipeline_mode<synchronous>, transform_indices = @transform_3, window_bounds = array<i64: 128, 256>}, {pipeline_mode = #tpu.pipeline_mode<synchronous>, transform_indices = @transform_4, window_bounds = array<i64: 128, 256>}, {pipeline_mode = #tpu.pipeline_mode<synchronous>, transform_indices = @transform_5, window_bounds = array<i64: 256, 256>}, {pipeline_mode = #tpu.pipeline_mode<synchronous>, transform_indices = @transform_6, window_bounds = array<i64: 1, 256>}, {pipeline_mode = #tpu.pipeline_mode<synchronous>, transform_indices = @transform_7, window_bounds = array<i64: 128, 256>}, {pipeline_mode = #tpu.pipeline_mode<synchronous>, transform_indices = @transform_8, window_bounds = array<i64: 128, 256>}, {pipeline_mode = #tpu.pipeline_mode<synchronous>, transform_indices = @transform_9, window_bounds = array<i64: 256, 256>}, {pipeline_mode = #tpu.pipeline_mode<synchronous>, transform_indices = @transform_10, window_bounds = array<i64: 1, 256>}, {pipeline_mode = #tpu.pipeline_mode<synchronous>, transform_indices = @transform_11, window_bounds = array<i64: 128, 256>}, {pipeline_mode = #tpu.pipeline_mode<synchronous>, transform_indices = @transform_12, window_bounds = array<i64: 128, 256>}, {pipeline_mode = #tpu.pipeline_mode<synchronous>, transform_indices = @transform_13, window_bounds = array<i64: 256, 256>}, {pipeline_mode = #tpu.pipeline_mode<synchronous>, transform_indices = @transform_14, window_bounds = array<i64: 1, 256>}, {pipeline_mode = #tpu.pipeline_mode<synchronous>, transform_indices = @transform_15, window_bounds = array<i64: 1, 256>}, {pipeline_mode = #tpu.pipeline_mode<synchronous>, transform_indices = @transform_16, window_bounds = array<i64: 1, 256>}, {transform_indices = @transform_17, window_bounds = array<i64: 2000, 1>}, {transform_indices = @transform_18, window_bounds = array<i64: 2000, 1>}]} {
    %get3A = arith.constant 0 : index
    %get3A_0 = arith.constant 0 : index
    %get3A_1 = vector.load %arg1[%get3A, %get3A_0] : memref<2000x128xf32, #tpu.memory_space<vmem>>, vector<2000x128xf32>
    %get3A_2 = arith.constant 0 : index
    %get3A_3 = arith.constant 0 : index
    %get3A_4 = vector.load %arg2[%get3A_2, %get3A_3] : memref<2000x128xf32, #tpu.memory_space<vmem>>, vector<2000x128xf32>
    %get3A_5 = arith.constant 0 : index
    %get3A_6 = arith.constant 0 : index
    %get3A_7 = vector.load %arg3[%get3A_5, %get3A_6] : memref<2000x256xf32, #tpu.memory_space<vmem>>, vector<2000x256xf32>
    %get3A_8 = arith.constant 0 : index
    %get3A_9 = arith.constant 0 : index
    %get3A_10 = vector.load %arg4[%get3A_8, %get3A_9] : memref<128x256xf32, #tpu.memory_space<vmem>>, vector<128x256xf32>
    %dot_general3A = arith.constant dense<0.000000e+00> : vector<2000x256xf32>
    %dot_general3A_11 = tpu.matmul %get3A_1, %get3A_10, %dot_general3A {dimension_numbers = #tpu.dot_dimension_numbers<[1], [0], [0], [1], [0, 0, 1, 1], [], []>, transpose_lhs_hint = false} : vector<2000x128xf32>, vector<128x256xf32>, vector<2000x256xf32> -> vector<2000x256xf32>
    %get3A_12 = arith.constant 0 : index
    %get3A_13 = arith.constant 0 : index
    %get3A_14 = vector.load %arg5[%get3A_12, %get3A_13] : memref<128x256xf32, #tpu.memory_space<vmem>>, vector<128x256xf32>
    %dot_general3A_15 = arith.constant dense<0.000000e+00> : vector<2000x256xf32>
    %dot_general3A_16 = tpu.matmul %get3A_4, %get3A_14, %dot_general3A_15 {dimension_numbers = #tpu.dot_dimension_numbers<[1], [0], [0], [1], [0, 0, 1, 1], [], []>, transpose_lhs_hint = false} : vector<2000x128xf32>, vector<128x256xf32>, vector<2000x256xf32> -> vector<2000x256xf32>
    %add3A = arith.addf %dot_general3A_11, %dot_general3A_16 : vector<2000x256xf32>
    %get3A_17 = arith.constant 0 : index
    %get3A_18 = arith.constant 0 : index
    %get3A_19 = vector.load %arg6[%get3A_17, %get3A_18] : memref<256x256xf32, #tpu.memory_space<vmem>>, vector<256x256xf32>
    %dot_general3A_20 = arith.constant dense<0.000000e+00> : vector<2000x256xf32>
    %dot_general3A_21 = tpu.matmul %get3A_7, %get3A_19, %dot_general3A_20 {dimension_numbers = #tpu.dot_dimension_numbers<[1], [0], [0], [1], [0, 0, 1, 1], [], []>, transpose_lhs_hint = false} : vector<2000x256xf32>, vector<256x256xf32>, vector<2000x256xf32> -> vector<2000x256xf32>
    %add3A_22 = arith.addf %add3A, %dot_general3A_21 : vector<2000x256xf32>
    %get3A_23 = arith.constant 0 : index
    %get3A_24 = arith.constant 0 : index
    %get3A_25 = vector.load %arg7[%get3A_23, %get3A_24] : memref<1x256xf32, #tpu.memory_space<vmem>>, vector<1x256xf32>
    %add3A_26 = vector.broadcast %get3A_25 : vector<1x256xf32> to vector<2000x256xf32>
    %add3A_27 = arith.addf %add3A_22, %add3A_26 : vector<2000x256xf32>
    %get3A_28 = arith.constant 0 : index
    %get3A_29 = arith.constant 0 : index
    %get3A_30 = vector.load %arg8[%get3A_28, %get3A_29] : memref<128x256xf32, #tpu.memory_space<vmem>>, vector<128x256xf32>
    %dot_general3A_31 = arith.constant dense<0.000000e+00> : vector<2000x256xf32>
    %dot_general3A_32 = tpu.matmul %get3A_1, %get3A_30, %dot_general3A_31 {dimension_numbers = #tpu.dot_dimension_numbers<[1], [0], [0], [1], [0, 0, 1, 1], [], []>, transpose_lhs_hint = false} : vector<2000x128xf32>, vector<128x256xf32>, vector<2000x256xf32> -> vector<2000x256xf32>
    %get3A_33 = arith.constant 0 : index
    %get3A_34 = arith.constant 0 : index
    %get3A_35 = vector.load %arg9[%get3A_33, %get3A_34] : memref<128x256xf32, #tpu.memory_space<vmem>>, vector<128x256xf32>
    %dot_general3A_36 = arith.constant dense<0.000000e+00> : vector<2000x256xf32>
    %dot_general3A_37 = tpu.matmul %get3A_4, %get3A_35, %dot_general3A_36 {dimension_numbers = #tpu.dot_dimension_numbers<[1], [0], [0], [1], [0, 0, 1, 1], [], []>, transpose_lhs_hint = false} : vector<2000x128xf32>, vector<128x256xf32>, vector<2000x256xf32> -> vector<2000x256xf32>
    %add3A_38 = arith.addf %dot_general3A_32, %dot_general3A_37 : vector<2000x256xf32>
    %get3A_39 = arith.constant 0 : index
    %get3A_40 = arith.constant 0 : index
    %get3A_41 = vector.load %arg10[%get3A_39, %get3A_40] : memref<256x256xf32, #tpu.memory_space<vmem>>, vector<256x256xf32>
    %dot_general3A_42 = arith.constant dense<0.000000e+00> : vector<2000x256xf32>
    %dot_general3A_43 = tpu.matmul %get3A_7, %get3A_41, %dot_general3A_42 {dimension_numbers = #tpu.dot_dimension_numbers<[1], [0], [0], [1], [0, 0, 1, 1], [], []>, transpose_lhs_hint = false} : vector<2000x256xf32>, vector<256x256xf32>, vector<2000x256xf32> -> vector<2000x256xf32>
    %add3A_44 = arith.addf %add3A_38, %dot_general3A_43 : vector<2000x256xf32>
    %get3A_45 = arith.constant 0 : index
    %get3A_46 = arith.constant 0 : index
    %get3A_47 = vector.load %arg11[%get3A_45, %get3A_46] : memref<1x256xf32, #tpu.memory_space<vmem>>, vector<1x256xf32>
    %add3A_48 = vector.broadcast %get3A_47 : vector<1x256xf32> to vector<2000x256xf32>
    %add3A_49 = arith.addf %add3A_44, %add3A_48 : vector<2000x256xf32>
    %logistic3A = arith.negf %add3A_27 : vector<2000x256xf32>
    %logistic3A_50 = math.exp %logistic3A : vector<2000x256xf32>
    %logistic3A_51 = arith.constant 1.000000e+00 : f32
    %logistic3A_52 = vector.broadcast %logistic3A_51 : f32 to vector<2000x256xf32>
    %logistic3A_53 = arith.addf %logistic3A_52, %logistic3A_50 : vector<2000x256xf32>
    %logistic3A_54 = arith.divf %logistic3A_52, %logistic3A_53 : vector<2000x256xf32>
    %logistic3A_55 = arith.negf %add3A_49 : vector<2000x256xf32>
    %logistic3A_56 = math.exp %logistic3A_55 : vector<2000x256xf32>
    %logistic3A_57 = arith.constant 1.000000e+00 : f32
    %logistic3A_58 = vector.broadcast %logistic3A_57 : f32 to vector<2000x256xf32>
    %logistic3A_59 = arith.addf %logistic3A_58, %logistic3A_56 : vector<2000x256xf32>
    %logistic3A_60 = arith.divf %logistic3A_58, %logistic3A_59 : vector<2000x256xf32>
    %get3A_61 = arith.constant 0 : index
    %get3A_62 = arith.constant 0 : index
    %get3A_63 = vector.load %arg12[%get3A_61, %get3A_62] : memref<128x256xf32, #tpu.memory_space<vmem>>, vector<128x256xf32>
    %dot_general3A_64 = arith.constant dense<0.000000e+00> : vector<2000x256xf32>
    %dot_general3A_65 = tpu.matmul %get3A_1, %get3A_63, %dot_general3A_64 {dimension_numbers = #tpu.dot_dimension_numbers<[1], [0], [0], [1], [0, 0, 1, 1], [], []>, transpose_lhs_hint = false} : vector<2000x128xf32>, vector<128x256xf32>, vector<2000x256xf32> -> vector<2000x256xf32>
    %get3A_66 = arith.constant 0 : index
    %get3A_67 = arith.constant 0 : index
    %get3A_68 = vector.load %arg13[%get3A_66, %get3A_67] : memref<128x256xf32, #tpu.memory_space<vmem>>, vector<128x256xf32>
    %dot_general3A_69 = arith.constant dense<0.000000e+00> : vector<2000x256xf32>
    %dot_general3A_70 = tpu.matmul %get3A_4, %get3A_68, %dot_general3A_69 {dimension_numbers = #tpu.dot_dimension_numbers<[1], [0], [0], [1], [0, 0, 1, 1], [], []>, transpose_lhs_hint = false} : vector<2000x128xf32>, vector<128x256xf32>, vector<2000x256xf32> -> vector<2000x256xf32>
    %add3A_71 = arith.addf %dot_general3A_65, %dot_general3A_70 : vector<2000x256xf32>
    %mul3A = arith.mulf %logistic3A_60, %get3A_7 : vector<2000x256xf32>
    %get3A_72 = arith.constant 0 : index
    %get3A_73 = arith.constant 0 : index
    %get3A_74 = vector.load %arg14[%get3A_72, %get3A_73] : memref<256x256xf32, #tpu.memory_space<vmem>>, vector<256x256xf32>
    %dot_general3A_75 = arith.constant dense<0.000000e+00> : vector<2000x256xf32>
    %dot_general3A_76 = tpu.matmul %mul3A, %get3A_74, %dot_general3A_75 {dimension_numbers = #tpu.dot_dimension_numbers<[1], [0], [0], [1], [0, 0, 1, 1], [], []>, transpose_lhs_hint = false} : vector<2000x256xf32>, vector<256x256xf32>, vector<2000x256xf32> -> vector<2000x256xf32>
    %add3A_77 = arith.addf %add3A_71, %dot_general3A_76 : vector<2000x256xf32>
    %get3A_78 = arith.constant 0 : index
    %get3A_79 = arith.constant 0 : index
    %get3A_80 = vector.load %arg15[%get3A_78, %get3A_79] : memref<1x256xf32, #tpu.memory_space<vmem>>, vector<1x256xf32>
    %add3A_81 = vector.broadcast %get3A_80 : vector<1x256xf32> to vector<2000x256xf32>
    %add3A_82 = arith.addf %add3A_77, %add3A_81 : vector<2000x256xf32>
    %tanh3A = math.tanh %add3A_82 : vector<2000x256xf32>
    %sub3A = arith.constant 1.000000e+00 : f32
    %sub3A_83 = vector.broadcast %sub3A : f32 to vector<2000x256xf32>
    %sub3A_84 = arith.subf %sub3A_83, %logistic3A_54 : vector<2000x256xf32>
    %mul3A_85 = arith.mulf %sub3A_84, %get3A_7 : vector<2000x256xf32>
    %mul3A_86 = arith.mulf %logistic3A_54, %tanh3A : vector<2000x256xf32>
    %add3A_87 = arith.addf %mul3A_85, %mul3A_86 : vector<2000x256xf32>
    %get3A_88 = arith.constant 0 : index
    %get3A_89 = arith.constant 0 : index
    %get3A_90 = vector.load %arg16[%get3A_88, %get3A_89] : memref<1x256xf32, #tpu.memory_space<vmem>>, vector<1x256xf32>
    %mul3A_91 = vector.broadcast %get3A_90 : vector<1x256xf32> to vector<2000x256xf32>
    %mul3A_92 = arith.mulf %add3A_87, %mul3A_91 : vector<2000x256xf32>
    %reduce_sum3A = arith.constant dense<0.000000e+00> : vector<2000xf32>
    %reduce_sum3A_93 = vector.multi_reduction <add>, %mul3A_92, %reduce_sum3A [1] : vector<2000x256xf32> to vector<2000xf32>
    %broadcast_in_dim3A = vector.shape_cast %reduce_sum3A_93 : vector<2000xf32> to vector<2000x1xf32>
    %swap3A = arith.constant 0 : index
    %swap3A_94 = arith.constant 0 : index
    %swap3A_95 = vector.load %arg18[%swap3A, %swap3A_94] : memref<2000x1xf32, #tpu.memory_space<vmem>>, vector<2000x1xf32>
    tpu.vector_store %arg18[%swap3A, %swap3A_94], %broadcast_in_dim3A {strides = array<i32>} : memref<2000x1xf32, #tpu.memory_space<vmem>>, vector<2000x1xf32>,
    %get3A_96 = arith.constant 0 : index
    %get3A_97 = arith.constant 0 : index
    %get3A_98 = vector.load %arg17[%get3A_96, %get3A_97] : memref<1x256xf32, #tpu.memory_space<vmem>>, vector<1x256xf32>
    %mul3A_99 = vector.broadcast %get3A_98 : vector<1x256xf32> to vector<2000x256xf32>
    %mul3A_100 = arith.mulf %add3A_87, %mul3A_99 : vector<2000x256xf32>
    %reduce_sum3A_101 = arith.constant dense<0.000000e+00> : vector<2000xf32>
    %reduce_sum3A_102 = vector.multi_reduction <add>, %mul3A_100, %reduce_sum3A_101 [1] : vector<2000x256xf32> to vector<2000xf32>
    %broadcast_in_dim3A_103 = vector.shape_cast %reduce_sum3A_102 : vector<2000xf32> to vector<2000x1xf32>
    %swap3A_104 = arith.constant 0 : index
    %swap3A_105 = arith.constant 0 : index
    %swap3A_106 = vector.load %arg19[%swap3A_104, %swap3A_105] : memref<2000x1xf32, #tpu.memory_space<vmem>>, vector<2000x1xf32>
    tpu.vector_store %arg19[%swap3A_104, %swap3A_105], %broadcast_in_dim3A_103 {strides = array<i32>} : memref<2000x1xf32, #tpu.memory_space<vmem>>, vector<2000x1xf32>,
    return
  }
  func.func @transform_0(%arg0: i32) -> (i32, i32) {
    %c0_i32 = arith.constant 0 : i32
    %c0_i32_0 = arith.constant 0 : i32
    return %arg0, %c0_i32 : i32, i32
  }
  func.func @transform_1(%arg0: i32) -> (i32, i32) {
    %add3A = arith.constant 5 : i32
    %add3A_0 = arith.addi %add3A, %arg0 : i32
    %c0_i32 = arith.constant 0 : i32
    %c0_i32_1 = arith.constant 0 : i32
    return %add3A_0, %c0_i32 : i32, i32
  }
  func.func @transform_2(%arg0: i32) -> (i32, i32) {
    %c0_i32 = arith.constant 0 : i32
    %c0_i32_0 = arith.constant 0 : i32
    return %arg0, %c0_i32 : i32, i32
  }
  func.func @transform_3(%arg0: i32) -> (i32, i32) {
    %c0_i32 = arith.constant 0 : i32
    %c0_i32_0 = arith.constant 0 : i32
    %c0_i32_1 = arith.constant 0 : i32
    return %c0_i32, %c0_i32_0 : i32, i32
  }
  func.func @transform_4(%arg0: i32) -> (i32, i32) {
    %c0_i32 = arith.constant 0 : i32
    %c0_i32_0 = arith.constant 0 : i32
    %c0_i32_1 = arith.constant 0 : i32
    return %c0_i32, %c0_i32_0 : i32, i32
  }
  func.func @transform_5(%arg0: i32) -> (i32, i32) {
    %c0_i32 = arith.constant 0 : i32
    %c0_i32_0 = arith.constant 0 : i32
    %c0_i32_1 = arith.constant 0 : i32
    return %c0_i32, %c0_i32_0 : i32, i32
  }
  func.func @transform_6(%arg0: i32) -> (i32, i32) {
    %c0_i32 = arith.constant 0 : i32
    %c0_i32_0 = arith.constant 0 : i32
    %c0_i32_1 = arith.constant 0 : i32
    return %c0_i32, %c0_i32_0 : i32, i32
  }
  func.func @transform_7(%arg0: i32) -> (i32, i32) {
    %c0_i32 = arith.constant 0 : i32
    %c0_i32_0 = arith.constant 0 : i32
    %c0_i32_1 = arith.constant 0 : i32
    return %c0_i32, %c0_i32_0 : i32, i32
  }
  func.func @transform_8(%arg0: i32) -> (i32, i32) {
    %c0_i32 = arith.constant 0 : i32
    %c0_i32_0 = arith.constant 0 : i32
    %c0_i32_1 = arith.constant 0 : i32
    return %c0_i32, %c0_i32_0 : i32, i32
  }
  func.func @transform_9(%arg0: i32) -> (i32, i32) {
    %c0_i32 = arith.constant 0 : i32
    %c0_i32_0 = arith.constant 0 : i32
    %c0_i32_1 = arith.constant 0 : i32
    return %c0_i32, %c0_i32_0 : i32, i32
  }
  func.func @transform_10(%arg0: i32) -> (i32, i32) {
    %c0_i32 = arith.constant 0 : i32
    %c0_i32_0 = arith.constant 0 : i32
    %c0_i32_1 = arith.constant 0 : i32
    return %c0_i32, %c0_i32_0 : i32, i32
  }
  func.func @transform_11(%arg0: i32) -> (i32, i32) {
    %c0_i32 = arith.constant 0 : i32
    %c0_i32_0 = arith.constant 0 : i32
    %c0_i32_1 = arith.constant 0 : i32
    return %c0_i32, %c0_i32_0 : i32, i32
  }
  func.func @transform_12(%arg0: i32) -> (i32, i32) {
    %c0_i32 = arith.constant 0 : i32
    %c0_i32_0 = arith.constant 0 : i32
    %c0_i32_1 = arith.constant 0 : i32
    return %c0_i32, %c0_i32_0 : i32, i32
  }
  func.func @transform_13(%arg0: i32) -> (i32, i32) {
    %c0_i32 = arith.constant 0 : i32
    %c0_i32_0 = arith.constant 0 : i32
    %c0_i32_1 = arith.constant 0 : i32
    return %c0_i32, %c0_i32_0 : i32, i32
  }
  func.func @transform_14(%arg0: i32) -> (i32, i32) {
    %c0_i32 = arith.constant 0 : i32
    %c0_i32_0 = arith.constant 0 : i32
    %c0_i32_1 = arith.constant 0 : i32
    return %c0_i32, %c0_i32_0 : i32, i32
  }
  func.func @transform_15(%arg0: i32) -> (i32, i32) {
    %c0_i32 = arith.constant 0 : i32
    %c0_i32_0 = arith.constant 0 : i32
    %c0_i32_1 = arith.constant 0 : i32
    return %c0_i32, %c0_i32_0 : i32, i32
  }
  func.func @transform_16(%arg0: i32) -> (i32, i32) {
    %c0_i32 = arith.constant 0 : i32
    %c0_i32_0 = arith.constant 0 : i32
    %c0_i32_1 = arith.constant 0 : i32
    return %c0_i32, %c0_i32_0 : i32, i32
  }
  func.func @transform_17(%arg0: i32) -> (i32, i32) {
    %c0_i32 = arith.constant 0 : i32
    %c0_i32_0 = arith.constant 0 : i32
    return %arg0, %c0_i32 : i32, i32
  }
  func.func @transform_18(%arg0: i32) -> (i32, i32) {
    %c0_i32 = arith.constant 0 : i32
    %c0_i32_0 = arith.constant 0 : i32
    return %arg0, %c0_i32 : i32, i32
  }
}

module attributes {stable_mosaic.version = 14 : i64} {
  func.func @_pool_body(%arg0: memref<1x10000xi32, #tpu.memory_space<vmem>>, %arg1: memref<1x10000xf32, #tpu.memory_space<vmem>>, %arg2: memref<1x10000xf32, #tpu.memory_space<vmem>>, %arg3: memref<1x10000xf32, #tpu.memory_space<vmem>>) attributes {dimension_semantics = [], scalar_prefetch = 0 : i64, scratch_operands = 0 : i64, tpu.core_type = #tpu.core_type<tc>} {
    %get3A = arith.constant 0 : index
    %get3A_0 = arith.constant 0 : index
    %get3A_1 = vector.load %arg0[%get3A, %get3A_0] : memref<1x10000xi32, #tpu.memory_space<vmem>>, vector<1x10000xi32>
    %get3A_2 = arith.constant 0 : index
    %get3A_3 = arith.constant 0 : index
    %get3A_4 = vector.load %arg1[%get3A_2, %get3A_3] : memref<1x10000xf32, #tpu.memory_space<vmem>>, vector<1x10000xf32>
    %get3A_5 = arith.constant 0 : index
    %get3A_6 = arith.constant 0 : index
    %get3A_7 = vector.load %arg2[%get3A_5, %get3A_6] : memref<1x10000xf32, #tpu.memory_space<vmem>>, vector<1x10000xf32>
    %broadcast_in_dim3A = vector.shape_cast %get3A_1 : vector<1x10000xi32> to vector<1x10000xi32>
    %broadcast_in_dim3A_8 = vector.broadcast %broadcast_in_dim3A : vector<1x10000xi32> to vector<64x10000xi32>
    %iota3A = tpu.iota {dimensions = array<i32: 0>} : vector<64x10000xi32>
    %eq3A = arith.cmpi eq, %broadcast_in_dim3A_8, %iota3A : vector<64x10000xi32>
    %convert_element_type3A = arith.extui %eq3A : vector<64x10000xi1> to vector<64x10000xi32>
    %convert_element_type3A_9 = arith.sitofp %convert_element_type3A : vector<64x10000xi32> to vector<64x10000xf32>
    %mul3A = vector.broadcast %get3A_7 : vector<1x10000xf32> to vector<64x10000xf32>
    %mul3A_10 = arith.mulf %convert_element_type3A_9, %mul3A : vector<64x10000xf32>
    %reduce_sum3A = arith.constant dense<0.000000e+00> : vector<64xf32>
    %reduce_sum3A_11 = vector.multi_reduction <add>, %mul3A_10, %reduce_sum3A [1] : vector<64x10000xf32> to vector<64xf32>
    %broadcast_in_dim3A_12 = vector.shape_cast %reduce_sum3A_11 : vector<64xf32> to vector<64x1xf32>
    %reduce_sum3A_13 = arith.constant dense<0.000000e+00> : vector<64xf32>
    %reduce_sum3A_14 = vector.multi_reduction <add>, %convert_element_type3A_9, %reduce_sum3A_13 [1] : vector<64x10000xf32> to vector<64xf32>
    %broadcast_in_dim3A_15 = vector.shape_cast %reduce_sum3A_14 : vector<64xf32> to vector<64x1xf32>
    %max3A = arith.constant 1.000000e+00 : f32
    %max3A_16 = vector.broadcast %max3A : f32 to vector<64x1xf32>
    %max3A_17 = arith.maximumf %broadcast_in_dim3A_15, %max3A_16 : vector<64x1xf32>
    %div3A = arith.divf %broadcast_in_dim3A_12, %max3A_17 : vector<64x1xf32>
    %mul3A_18 = vector.broadcast %div3A : vector<64x1xf32> to vector<64x10000xf32>
    %mul3A_19 = arith.mulf %convert_element_type3A_9, %mul3A_18 : vector<64x10000xf32>
    %reduce_sum3A_20 = arith.constant dense<0.000000e+00> : vector<10000xf32>
    %reduce_sum3A_21 = vector.multi_reduction <add>, %mul3A_19, %reduce_sum3A_20 [0] : vector<64x10000xf32> to vector<10000xf32>
    %broadcast_in_dim3A_22 = vector.shape_cast %reduce_sum3A_21 : vector<10000xf32> to vector<1x10000xf32>
    %add3A = arith.addf %get3A_4, %broadcast_in_dim3A_22 : vector<1x10000xf32>
    %swap3A = arith.constant 0 : index
    %swap3A_23 = arith.constant 0 : index
    %swap3A_24 = vector.load %arg3[%swap3A, %swap3A_23] : memref<1x10000xf32, #tpu.memory_space<vmem>>, vector<1x10000xf32>
    tpu.vector_store %arg3[%swap3A, %swap3A_23], %add3A {strides = array<i32>} : memref<1x10000xf32, #tpu.memory_space<vmem>>, vector<1x10000xf32>,
    return
  }
}

</mosaic_0001>

<sc_bundles>
// kernel: kernel.10.cloned.1.call-start
scs
__scs_entry_jumppad:
0x0: {  	(pc) =	sbr.rel $0x88, $3  }
0x1: {  	(tag) =	ssettag $0x0;
	lr =	simm.s32 $0x1  }
0x2: {  	[smem:$0x3F91] =	sst lr;
	_ =	strace $0xD0000000  }
0x3: {  	_ = 	snop  }
0x4: {  	_ = 	snop  }
0x5: {  	_ = 	snop  }
0x6: {  	_ = 	snop  }
0x7: {  	_ = 	snop  }
__scs_overlays_trampoline_lowered:
0x8: {  	[smem:$0x3FA0] =	sst s0  }
0x9: {  	[smem:$0x3FA1] =	sst s1  }
0xa: {  	[smem:$0x3FA2] =	sst s2  }
0xb: {  	[smem:$0x3FA3] =	sst s3  }
0xc: {  	[smem:$0x3FA4] =	sst s4  }
0xd: {  	[smem:$0x3FA5] =	sst s5  }
0xe: {  	[smem:$0x3FA6] =	sst s6  }
0xf: {  	[smem:$0x3FA7] =	sst s7  }
0x10: {  	[smem:$0x3FA8] =	sst s8  }
0x11: {  	[smem:$0x3FA9] =	sst s9;
	s0 =	simm.s32 @!p0 $0x0  }
0x12: {  	s1 =	sld [smem:$0x3F8F];
	s0 =	simm.s32 @p0 $0x1  }
0x13: {  	[smem:$0x3FAA] =	sst s0;
	s0 =	simm.s32 @!p1 $0x0  }
0x14: {  	s2 =	sld [smem:$0x3F8E];
	s0 =	simm.s32 @p1 $0x1  }
0x15: {  	[smem:$0x3FAB] =	sst s0;
	s0 =	simm.s32 @!p2 $0x0  }
0x16: {  	s3 =	sld [smem:$0x3FDB];
	s0 =	simm.s32 @p2 $0x1  }
0x17: {  	s4 =	simm.s32 $0x1BF5;
	[smem:$0x3FAD] =	sst s0  }
0x18: {  	s0 =	sld [smem:$0x3F90];
	_ =	swait.ge [sflag:s4], $0x0  }
0x19: {  	s7 =	sld [smem:$0x3F91]  }
0x1a: {  	s8 =	sadd.s32 $0xFFFFE003, lr  }
0x1b: {  	s9 =	sadd.s32 $0xFFFFFEF7, lr;
	s5 =	simm.s32 $0xFFFFFFFF;
	p2 =	slt.u32 s8, $0xFFFFF086  }
0x1c: {  	p1 =	slt.u32 s9, $0xF7A;
	s5 =	simm.s32 @!p2 $0x0  }
0x1d: {  	s5 =	simm.s32 @p1 $0x1;
	p0 =	seq.s32 s7, s2  }
0x1e: {  	s7 =	smul.u32 @!p0 $0xF7A, s2;
	p2 =	seq.s32 @!p0 s5, $0x0  }
0x1f: {  	s9 =	smul.u32 $0xF7A, s1;
	s8 =	simm.s32 @!p0 $0x1BF5;
	p2 =	por !p2, p0  }
0x20: {  	[sflag:s8] =	ssyncset.s32 @!p0 $0xFFFFF086;
	s6 =	sadd.s32 @!p0 s3, s7;
	s7 =	simm.s32 @!p0 $0x108  }
0x21: {  	s3 =	sadd.s32 s3, s9;
	s6 =	sadd.s32 @!p0 $0x88, s6;
	s7 =	simm.s32 @p2 $0x1082  }
0x22: {  	[simem:s7], [sflag:s8] =	dma.local @!p0 [hbm:s6], $0xF7A  }
0x23: {  	s9 =	sor.u32 $0xD0000000, s2;
	s6 =	simm.s32 $0x108;
	_ =	swait.ge @!p0 [sflag:s8], $0x0  }
0x24: {  	s3 =	sadd.s32 $0x88, s3;
	s6 =	simm.s32 @!p1 $0x1082;
	[sflag:s4] =	ssyncset.s32 $0xFFFFF086  }
0x25: {  	[simem:s6], [sflag:s4] =	dma.local [hbm:s3], $0xF7A  }
0x26: {  	[smem:$0x3F91] =	sst s1;
	(tag) =	ssettag s2;
	_ =	strace s9  }
0x27: {  	s1 =	sld [smem:$0x3FA1]  }
0x28: {  	s2 =	sld [smem:$0x3FA2]  }
0x29: {  	s4 =	sld [smem:$0x3FA4]  }
0x2a: {  	p0 =	seq.s32 s5, $0x0;
	s5 =	sld [smem:$0x3FA5]  }
0x2b: {  	s6 =	sld [smem:$0x3FA6]  }
0x2c: {  	s7 =	sld [smem:$0x3FA7]  }
0x2d: {  	s3 =	simm.s32 $0x108;
	s8 =	sld [smem:$0x3FA8]  }
0x2e: {  	s3 =	simm.s32 @!p0 $0x1082;
	s9 =	sld [smem:$0x3FA9]  }
0x2f: {  	lr =	sadd.s32 s0, s3;
	s0 =	sld [smem:$0x3FA0]  }
0x30: {  	s3 =	sld [smem:$0x3FA3]  }
0x31: {  	[smem:$0x3FAC] =	sst s10  }
0x32: {  	s10 =	sld [smem:$0x3FAA];
	_ =	sdelay $0x3  }
0x33: {  	p0 =	seq.s32 s10, $0x1;
	s10 =	sld [smem:$0x3FAC];
	_ =	sdelay $0x3  }
0x34: {  	[smem:$0x3FAC] =	sst s10  }
0x35: {  	s10 =	sld [smem:$0x3FAB];
	_ =	sdelay $0x3  }
0x36: {  	p1 =	seq.s32 s10, $0x1;
	s10 =	sld [smem:$0x3FAC];
	_ =	sdelay $0x3  }
0x37: {  	[smem:$0x3FAC] =	sst s10  }
0x38: {  	s10 =	sld [smem:$0x3FAD]  }
0x39: {  	_ = 	snop;
	(pc) =	sbr.ind lr, $3  }
0x3a: {  	_ = 	snop  }
0x3b: {  	_ = 	snop  }
0x3c: {  	p2 =	seq.s32 s10, $0x1;
	s10 =	sld [smem:$0x3FAC]  }
0x3d: {  	_ =	shalt  }
0x3e: {  	_ =	shalt  }
0x3f: {  	_ =	shalt  }
0x40: {  	_ =	shalt  }
0x41: {  	_ =	shalt  }
0x42: {  	_ =	shalt  }
0x43: {  	_ =	shalt  }
0x44: {  	_ =	shalt  }
0x45: {  	_ =	shalt  }
0x46: {  	_ =	shalt  }
0x47: {  	_ =	shalt  }
0x48: {  	_ =	shalt  }
0x49: {  	_ =	shalt  }
0x4a: {  	_ =	shalt  }
0x4b: {  	_ =	shalt  }
0x4c: {  	_ =	shalt  }
0x4d: {  	_ =	shalt  }
0x4e: {  	_ =	shalt  }
0x4f: {  	_ =	shalt  }
0x50: {  	_ =	shalt  }
0x51: {  	_ =	shalt  }
0x52: {  	_ =	shalt  }
0x53: {  	_ =	shalt  }
0x54: {  	_ =	shalt  }
0x55: {  	_ =	shalt  }
0x56: {  	_ =	shalt  }
0x57: {  	_ =	shalt  }
0x58: {  	_ =	shalt  }
0x59: {  	_ =	shalt  }
0x5a: {  	_ =	shalt  }
0x5b: {  	_ =	shalt  }
0x5c: {  	_ =	shalt  }
0x5d: {  	_ =	shalt  }
0x5e: {  	_ =	shalt  }
0x5f: {  	_ =	shalt  }
0x60: {  	_ =	shalt  }
0x61: {  	_ =	shalt  }
0x62: {  	_ =	shalt  }
0x63: {  	_ =	shalt  }
0x64: {  	_ =	shalt  }
0x65: {  	_ =	shalt  }
0x66: {  	_ =	shalt  }
0x67: {  	_ =	shalt  }
0x68: {  	_ =	shalt  }
0x69: {  	_ =	shalt  }
0x6a: {  	_ =	shalt  }
0x6b: {  	_ =	shalt  }
0x6c: {  	_ =	shalt  }
0x6d: {  	_ =	shalt  }
0x6e: {  	_ =	shalt  }
0x6f: {  	_ =	shalt  }
0x70: {  	_ =	shalt  }
0x71: {  	_ =	shalt  }
0x72: {  	_ =	shalt  }
0x73: {  	_ =	shalt  }
0x74: {  	_ =	shalt  }
0x75: {  	_ =	shalt  }
0x76: {  	_ =	shalt  }
0x77: {  	_ =	shalt  }
0x78: {  	_ =	shalt  }
0x79: {  	_ =	shalt  }
0x7a: {  	_ =	shalt  }
0x7b: {  	_ =	shalt  }
0x7c: {  	_ =	shalt  }
0x7d: {  	_ =	shalt  }
0x7e: {  	_ =	shalt  }
0x7f: {  	_ =	shalt  }
0x80: {  	_ =	shalt  }
0x81: {  	_ =	shalt  }
0x82: {  	_ =	shalt  }
0x83: {  	_ =	shalt  }
0x84: {  	_ =	shalt  }
0x85: {  	_ =	shalt  }
0x86: {  	_ =	shalt  }
0x87: {  	_ =	shalt  }
.Lfunc_end0:
.L_simem_size_0:
called_computation.1_lowered:
.L_overlay_start_0:
0x88: {  	s2 =	sld [smem:$0x3FD9]  }
0x89: {  	s3 =	sld [smem:$0x3FFE];
	_ =	sdelay $0x1  }
0x8a: {  	s1 =	srdreg.scid  }
0x8b: {  	s0 =	sand.u32 $0x1, s1  }
0x8c: {  	s16 =	sshll.u32 s0, $0xA;
	s2 =	sadd.s32 s3, s2  }
0x8d: {  	s2 =	sadd.s32 s2, s16  }
0x8e: {  	[smem:$0x3FB8] =	sst s2  }
0x8f: {  	_ = 	snop  }
0x90: {  	(tm) =	ssettm $0x1  }
0x91: {  	s17 =	sld [smem:$0x3FFB];
	_ =	sdelay $0x3  }
0x92: {  	_ =	strace s17  }
0x93: {  	s2 =	sld [smem:$0x3FFC];
	_ =	sdelay $0x3  }
0x94: {  	_ =	strace s2  }
0x95: {  	s2 =	sld [smem:$0x3FFD];
	_ =	sdelay $0x3  }
0x96: {  	_ =	strace s2  }
0x97: {  	_ =	strace $0x8FFFFFFF  }
0x98: {  	s18 =	sld [smem:$0x3FDB];
	_ =	sdelay $0x1  }
0x99: {  	s19 =	simm.s32 $_scs_section_size  }
0x9a: {  	s4 =	simm.s32 $_size__tile_overlayer_lowered;
	s5 =	simm.s32 $_tile_overlayer_lowered  }
0x9b: {  	s22 =	simm.s32 $0x1BFF;
	s21 =	sshll.u32 s5, $0x1;
	s2 =	sadd.s32 s19, s18  }
0x9c: {  	s6 =	simm.s32 $0x0;
	s20 =	sshll.u32 s4, $0x1;
	s4 =	sadd.s32 s21, s2  }
0x9d: {  	[timem:s6], [sflag:s22] =	dma.local [hbm:s4], s20  }
0x9e: {  	_ =	swait.ge [sflag:s22], s20  }
0x9f: {  	s3 =	ssub.s32 $0x0, s20;
	[sflag:s22] =	ssyncset.done $0x0  }
0xa0: {  	[sflag:s22] =	ssyncadd.s32 s3;
	_ =	sdelay $0x1  }
0xa1: {  	s23 =	simm.s32 $0x1B8B  }
0xa2: {  	_ =	swait.ge [sflag:s23], $0x1  }
0xa3: {  	[sflag:s23] =	ssyncset.done $0x0  }
0xa4: {  	s25 =	simm.s32 $0x1B8E;
	s24 =	sld [smem:$0x3FFE];
	[sflag:s23] =	ssyncadd.s32 $0xFFFFFFFF  }
0xa5: {  	s26 =	simm.s32 $execute0_lowered;
	[smem:$0x3FD2] =	sst s25  }
0xa6: {  	s4 =	sshll.u32 s26, $0x1;
	_ =	strace $0x80000049;
	[dreg:$0x1] =	wrdreg $0xFFFFFFFF  }
0xa7: {  	s28 =	simm.s32 $_size_execute0_lowered;
	s2 =	sadd.s32 s2, s4;
	[dreg:$0x0] =	wrdreg $0x0  }
0xa8: {  	s4 =	sshll.u32 s28, $0x1;
	[dreg:$0x2] =	wrdreg s2  }
0xa9: {  	[dreg:$0x3] =	wrdreg s4  }
0xaa: {  	[dreg:$0x4] =	wrdreg $0xC0  }
0xab: {  	_ =	task [dreg:s6], $0x5FFFF  }
0xac: {  	[dreg:$0x1] =	wrdreg $0xFFFFFFFF  }
0xad: {  	[dreg:$0x0] =	wrdreg $0x60  }
0xae: {  	[dreg:$0x2] =	wrdreg s24  }
0xaf: {  	[dreg:$0x3] =	wrdreg $0x0  }
0xb0: {  	[dreg:$0x4] =	wrdreg $0x9  }
0xb1: {  	_ =	task.clear_ibuf [dreg:s6], $0x5FFFF;
	_ =	strace $0x90000049  }
0xb2: {  	s29 =	simm.s32 $0x9;
	_ =	strace $0x8000004B  }
0xb3: {  	_ =	swait.ge [sflag:s29], $0x1  }
0xb4: {  	[sflag:s29] =	ssyncadd.s32 $0xFFFFFFFF  }
0xb5: {  	_ =	strace $0x9000004B  }
0xb6: {  	_ =	sfence  }
0xb7: {  	s30 =	sld [smem:$0x0];
	_ =	sdelay $0x2  }
0xb8: {  	s31 =	sshll.u32 s1, $0xD;
	s1 =	sshrl.u32 s1, $0x2  }
0xb9: {  	s3 =	sand.u32 $0x4000, s31;
	s1 =	sadd.s32 s1, s30  }
0xba: {  	s0 =	sor.u32 s3, s0;
	s1 =	sshll.u32 s1, $0x11  }
0xbb: {  	s0 =	sor.u32 s1, s0  }
0xbc: {  	s0 =	sadd.s32 $0x8F2B, s0  }
0xbd: {  	[sflag:s0] =	ssyncadd.remote.s32 $0x1  }
0xbe: {  	_ =	sfence.sel $0xFFFF  }
0xbf: {  	[dreg:$0x0] =	wrdreg $0xFFFFFFFF;
	(pc) =	sbr.abs _section_cstart, $3  }
0xc0: {  	[dreg:$0x1] =	wrdreg $0xFFFFFFFF  }
0xc1: {  	_ =	task.clear_ibuf [dreg:s6], $0x2FFFF;
	_ =	strace $0x9FFFFFFF  }
0xc2: {  	(tm) =	ssettm $0x7FFFFFFF  }
0xc3: {  	_ =	shalt  }
tec
execute0_lowered:
.L_overlay_start_1:
0x0: {  	(tag) =	ssettag $0x1  }
0x1: {  	s0 =	rddreg [dreg:$0x0]  }
0x2: {  	s1 =	rddreg [dreg:$0x1]  }
0x3: {  	s3 =	simm.s32 $0x0;
	s13 =	stileid.u32;
	s2 =	srdreg.scid  }
0x4: {  	s29 =	simm.s32 $0x7;
	s30 =	simm.s32 $0x50;
	s31 =	simm.s32 $0x17A00  }
0x5: {  	[smem:$0x7FF] =	sst s3;
	s4 =	sadd.s32 $0x61800, s0;
	s10 =	smul.u32 $0x2710, s13  }
0x6: {  	s5 =	sshll.u32 s13, $0xB;
	s2 =	sand.u32 $0x1, s2;
	s12 =	smul.u32 $0x4E000, s13  }
0x7: {  	s6 =	sadd.s32 $0x57A00, s0;
	s16 =	smul.u32 $0x2700, s13;
	p0 =	seq.s32 s13, $0xF  }
0x8: {  	_ =	strace $0x8000004A;
	s7 =	sadd.s32 s5, s0;
	s9 =	smul.u32 $0x27100, s2  }
0x9: {  	s5 =	sadd.s32 $0x14BE00, s0;
	s8 =	ssub.s32 $0x2, s2;
	s0 =	sadd.s32 $0x14E600, s0  }
0xa: {  	s2 =	smul.u32 $0x138800, s2;
	s11 =	sshrl.u32 s8, $0x1;
	s7 =	sadd.s32 $0x4FA00, s7  }
0xb: {  	s14 =	sshrl.u32 s12, $0x2;
	s12 =	sadd.s32 $0x124800, s1;
	s11 =	ssub.s32 s8, s11  }
0xc: {  	[dreg:$0x3] =	wrdreg s7;
	s28 =	sadd.s32 s10, s9;
	s8 =	sadd.s32 s14, s1  }
0xd: {  	s2 =	sshrl.u32 s2, $0x3;
	s9 =	sadd.s32 s16, s9;
	s10 =	sshrl.u32 s28, $0x3  }
0xe: {  	[dreg:$0x4] =	wrdreg s8;
	s2 =	sadd.s32 s0, s2;
	s0 =	sadd.s32 s0, s9  }
0xf: {  	s19 =	smax.u32 s11, $0x1;
	s22 =	sadd.s32 $0x280, s28;
	s24 =	sadd.s32 $0x230, s28  }
0x10: {  	s26 =	sadd.s32 $0x1E0, s28;
	s9 =	simm.s32 $0x2;
	s11 =	simm.s32 $0x5  }
0x11: {  	s15 =	sadd.s32 s6, s10;
	[dreg:$0x8] =	wrdreg s0;
	s18 =	sadd.s32 $0x24900, s2  }
0x12: {  	[dreg:$0xa] =	wrdreg s19;
	s0 =	sshrl.u32 s22, $0x3;
	s25 =	sshrl.u32 s24, $0x3  }
0x13: {  	s28 =	sshrl.u32 s26, $0x3;
	s22 =	sshrl.u32 @p0 s12, $0x3;
	s24 =	simm.s32 $0x4  }
0x14: {  	s26 =	simm.s32 $0x17900;
	s2 =	simm.s32 $0x1A200;
	[dreg:$0x9] =	wrdreg s18  }
0x15: {  	s10 =	simm.s32 $0x3;
	s14 =	sadd.s32 $0xA, s15;
	[dreg:$0x5] =	wrdreg s15  }
0x16: {  	s12 =	simm.s32 $0x1;
	s17 =	sadd.s32 $0x14, s15;
	[dreg:$0x6] =	wrdreg s14  }
0x17: {  	s20 =	sadd.s32 $0x1E, s15;
	s21 =	sadd.s32 $0x28, s15;
	[dreg:$0x7] =	wrdreg s17  }
0x18: {  	s23 =	sadd.s32 $0x32, s15;
	s18 =	sadd.s32 s25, s6;
	[dreg:$0xb] =	wrdreg s20  }
0x19: {  	s19 =	sadd.s32 s28, s6;
	s25 =	simm.s32 $0x17880;
	[dreg:$0xc] =	wrdreg s21  }
0x1a: {  	[dreg:$0xd] =	wrdreg s23;
	s17 =	sadd.s32 s0, s6;
	s0 =	sshll.u32 @!p0 s13, $0x6  }
0x1b: {  	s13 =	simm.s32 $0x6;
	[dreg:$0xe] =	wrdreg s0;
	s0 =	sor.u32 @!p0 $0x1C05, s0  }
0x1c: {  	s14 =	simm.s32 $0x0;
	[dreg:$0xf] =	wrdreg s0;
	s0 =	simm.s32 $0x8  }
.LBB2_1:
0x1d: {  	s6 =	rddreg [dreg:$0x3];
	s7 =	simm.s32 $0x13880;
	s15 =	simm.s32 @p0 $0x1FC5  }
0x1e: {  	[tilespmem:s7], [sflag:$0x4] =	stream.linear.gather [hbm4b:s6+s3], $0x3E80, $0x38;
	[tilespmem:$0x1F200] =	vst v63  }
0x1f: {  	[spmem:s22], [sflag:s15] =	dma.local @p0 [hbm:s5], $0x2800  }
0x20: {  	s15 =	simm.s32 @p0 $0x5  }
0x21: {  	_ =	swait.ge @p0 [sflag:s15], $0x2800  }
0x22: {  	s16 =	simm.s32 @!p0 $0x5;
	[sflag:s15] =	ssyncset.done @p0 $0x0;
	s6 =	rddreg [dreg:$0x4]  }
0x23: {  	[sflag:s15] =	ssyncadd.s32 @p0 $0xFFFFD800;
	s15 =	sshrl.u32 @!p0 s6, $0x3;
	s6 =	rddreg [dreg:$0xf]  }
0x24: {  	[spmem:s15], [sflag:s6] =	dma.local @!p0 [hbm:s5], $0x2700  }
0x25: {  	_ =	swait.ge @!p0 [sflag:s16], $0x2700  }
0x26: {  	[sflag:s16] =	ssyncset.done @!p0 $0x0  }
0x27: {  	[sflag:s16] =	ssyncadd.s32 @!p0 $0xFFFFD900  }
0x28: {  	_ =	swait.ge [sflag:s24], $0x3E80  }
0x29: {  	[sflag:s24] =	ssyncset.done $0x0  }
0x2a: {  	s16 =	rddreg [dreg:$0x5];
	[sflag:s24] =	ssyncadd.s32 $0xFFFFC180  }
0x2b: {  	[tilespmem:s25], [sflag:$0x7] =	stream.linear.gather [hbm4b:s16+s3], $0x50, $0x38;
	[tilespmem:$0x1F200] =	vst v63  }
0x2c: {  	s20 =	rddreg [dreg:$0x6]  }
0x2d: {  	[tilespmem:s26], [sflag:$0x8] =	stream.linear.gather [hbm4b:s20+s3], $0x50, $0x38;
	[tilespmem:$0x1F200] =	vst v63  }
0x2e: {  	s8 =	simm.s32 $0x17980;
	s21 =	rddreg [dreg:$0x7]  }
0x2f: {  	[tilespmem:s8], [sflag:$0x9] =	stream.linear.gather [hbm4b:s21+s3], $0x50, $0x38;
	[tilespmem:$0x1F200] =	vst v63  }
0x30: {  	[bflag:$0x0] =	sbarrier.arrive $0xFFFF  }
0x31: {  	_ =	swait.ge [sflag:s29], $0x50  }
0x32: {  	[sflag:s29] =	ssyncset.done $0x0  }
0x33: {  	[sflag:s29] =	ssyncadd.s32 $0xFFFFFFB0  }
0x34: {  	[tilespmem:s31], [sflag:$0x1] =	stream.indirect.gather [hbm4b:s4+s30], $0x80, s25, s30, $0xb8;
	[tilespmem:$0x1F200] =	vst v63  }
0x35: {  	_ =	swait.ge [sflag:s0], $0x50  }
0x36: {  	[sflag:s0] =	ssyncset.done $0x0  }
0x37: {  	[sflag:s0] =	ssyncadd.s32 $0xFFFFFFB0  }
0x38: {  	[tilespmem:s2], [sflag:$0x2] =	stream.indirect.gather [hbm4b:s4+s30], $0x80, s26, s30, $0xb8;
	[tilespmem:$0x1F200] =	vst v63  }
0x39: {  	_ =	swait.ge [sflag:s12], $0x2800  }
0x3a: {  	[sflag:s12] =	ssyncset.done $0x0  }
0x3b: {  	s23 =	simm.s32 $0x9;
	[sflag:s12] =	ssyncadd.s32 $0xFFFFD800  }
0x3c: {  	[spmem:s1] =	stream.indirect.scatter.add.f32 [tilespmem:s31], [sflag:$0x4], $0x80, s7, s30, $0xb8;
	[tilespmem:$0x1F200] =	vst v63  }
0x3d: {  	_ =	swait.ge [sflag:s23], $0x50  }
0x3e: {  	[sflag:s23] =	ssyncset.done $0x0  }
0x3f: {  	s28 =	simm.s32 $0x1CA00;
	[sflag:s23] =	ssyncadd.s32 $0xFFFFFFB0  }
0x40: {  	[tilespmem:s28], [sflag:$0x3] =	stream.indirect.gather [hbm4b:s4+s30], $0x80, s8, s30, $0xb8;
	[tilespmem:$0x1F200] =	vst v63  }
0x41: {  	s16 =	rddreg [dreg:$0xb]  }
0x42: {  	[tilespmem:s25], [sflag:$0x7] =	stream.linear.gather [hbm4b:s16+s3], $0x50, $0x38;
	[tilespmem:$0x1F200] =	vst v63  }
0x43: {  	_ =	swait.ge [sflag:s9], $0x2800  }
0x44: {  	[sflag:s9] =	ssyncset.done $0x0  }
0x45: {  	s20 =	simm.s32 $0x13900;
	[sflag:s9] =	ssyncadd.s32 $0xFFFFD800  }
0x46: {  	[spmem:s1] =	stream.indirect.scatter.add.f32 [tilespmem:s2], [sflag:$0x5], $0x80, s20, s30, $0xb8;
	[tilespmem:$0x1F200] =	vst v63  }
0x47: {  	_ =	swait.ge [sflag:s24], $0x2800  }
0x48: {  	[sflag:s24] =	ssyncset.done $0x0  }
0x49: {  	[sflag:s24] =	ssyncadd.s32 $0xFFFFD800  }
0x4a: {  	_ =	swait.ge [sflag:s29], $0x50  }
0x4b: {  	[sflag:s29] =	ssyncset.done $0x0  }
0x4c: {  	[sflag:s29] =	ssyncadd.s32 $0xFFFFFFB0  }
0x4d: {  	[tilespmem:s31], [sflag:$0x1] =	stream.indirect.gather [hbm4b:s4+s30], $0x80, s25, s30, $0xb8;
	[tilespmem:$0x1F200] =	vst v63  }
0x4e: {  	s21 =	rddreg [dreg:$0xc]  }
0x4f: {  	[tilespmem:s26], [sflag:$0x8] =	stream.linear.gather [hbm4b:s21+s3], $0x50, $0x38;
	[tilespmem:$0x1F200] =	vst v63  }
0x50: {  	_ =	swait.ge [sflag:s10], $0x2800  }
0x51: {  	[sflag:s10] =	ssyncset.done $0x0  }
0x52: {  	s23 =	simm.s32 $0x13980;
	[sflag:s10] =	ssyncadd.s32 $0xFFFFD800  }
0x53: {  	[spmem:s1] =	stream.indirect.scatter.add.f32 [tilespmem:s28], [sflag:$0x6], $0x80, s23, s30, $0xb8;
	[tilespmem:$0x1F200] =	vst v63  }
0x54: {  	_ =	swait.ge [sflag:s11], $0x2800  }
0x55: {  	[sflag:s11] =	ssyncset.done $0x0  }
0x56: {  	[sflag:s11] =	ssyncadd.s32 $0xFFFFD800  }
0x57: {  	_ =	swait.ge [sflag:s0], $0x50  }
0x58: {  	[sflag:s0] =	ssyncset.done $0x0  }
0x59: {  	s16 =	simm.s32 $0x13B00;
	[sflag:s0] =	ssyncadd.s32 $0xFFFFFFB0  }
0x5a: {  	[tilespmem:s2], [sflag:$0x2] =	stream.indirect.gather [hbm4b:s4+s30], $0x80, s26, s30, $0xb8;
	[tilespmem:$0x1F200] =	vst v63  }
0x5b: {  	s20 =	simm.s32 $0x0;
	s23 =	simm.s32 $0x1;
	s28 =	rddreg [dreg:$0xd]  }
0x5c: {  	[tilespmem:s8], [sflag:$0x9] =	stream.linear.gather [hbm4b:s28+s3], $0x50, $0x38;
	[tilespmem:$0x1F200] =	vst v63  }
.LBB2_2:
0x5d: {  	_ =	swait.ge [sflag:s12], $0x2800  }
0x5e: {  	[sflag:s12] =	ssyncset.done $0x0  }
0x5f: {  	s8 =	sadd.s32 $0xFFFFFF00, s16;
	[sflag:s12] =	ssyncadd.s32 $0xFFFFD800  }
0x60: {  	[spmem:s1] =	stream.indirect.scatter.add.f32 [tilespmem:s31], [sflag:$0x4], $0x80, s8, s30, $0xb8;
	[tilespmem:$0x1F200] =	vst v63  }
0x61: {  	_ =	swait.ge [sflag:s13], $0x2800  }
0x62: {  	p1 =	seq.s32 s20, $0x4B0;
	[sflag:s13] =	ssyncset.done $0x0  }
0x63: {  	s8 =	simm.s32 @!p1 $0x9;
	[sflag:s13] =	ssyncadd.s32 $0xFFFFD800  }
0x64: {  	_ =	swait.ge @!p1 [sflag:s8], $0x50  }
0x65: {  	s21 =	simm.s32 @!p1 $0x17980;
	[sflag:s8] =	ssyncset.done @!p1 $0x0  }
0x66: {  	s7 =	simm.s32 @!p1 $0x1CA00;
	[sflag:s8] =	ssyncadd.s32 @!p1 $0xFFFFFFB0;
	s8 =	simm.s32 @!p1 $0x50  }
0x67: {  	[tilespmem:s7], [sflag:$0x3] =	stream.indirect.gather @!p1 [hbm4b:s4+s8], $0x80, s21, s8, $0xb8;
	[tilespmem:$0x1F200] =	vst v63  }
0x68: {  	s28 =	simm.s32 @!p1 $0x0;
	s6 =	simm.s32 @!p1 $0x17880;
	s21 =	sadd.s32 @!p1 s20, s19  }
0x69: {  	[tilespmem:s6], [sflag:$0x7] =	stream.linear.gather @!p1 [hbm4b:s21+s28], $0x50, $0x38;
	[tilespmem:$0x1F200] =	vst v63  }
0x6a: {  	_ =	swait.ge [sflag:s9], $0x2800  }
0x6b: {  	[sflag:s9] =	ssyncset.done $0x0  }
0x6c: {  	s21 =	sadd.s32 $0xFFFFFF80, s16;
	[sflag:s9] =	ssyncadd.s32 $0xFFFFD800  }
0x6d: {  	[spmem:s1] =	stream.indirect.scatter.add.f32 [tilespmem:s2], [sflag:$0x5], $0x80, s21, s30, $0xb8;
	[tilespmem:$0x1F200] =	vst v63  }
0x6e: {  	_ =	swait.ge [sflag:s24], $0x2800  }
0x6f: {  	[sflag:s24] =	ssyncset.done $0x0  }
0x70: {  	s21 =	simm.s32 @!p1 $0x7;
	[sflag:s24] =	ssyncadd.s32 $0xFFFFD800  }
0x71: {  	_ =	swait.ge @!p1 [sflag:s21], $0x50  }
0x72: {  	[sflag:s21] =	ssyncset.done @!p1 $0x0  }
0x73: {  	[sflag:s21] =	ssyncadd.s32 @!p1 $0xFFFFFFB0;
	s21 =	simm.s32 @!p1 $0x17A00  }
0x74: {  	[tilespmem:s21], [sflag:$0x1] =	stream.indirect.gather @!p1 [hbm4b:s4+s8], $0x80, s6, s8, $0xb8;
	[tilespmem:$0x1F200] =	vst v63  }
0x75: {  	s6 =	sadd.s32 @!p1 s20, s18;
	s21 =	simm.s32 @!p1 $0x17900  }
0x76: {  	[tilespmem:s21], [sflag:$0x8] =	stream.linear.gather @!p1 [hbm4b:s6+s28], $0x50, $0x38;
	[tilespmem:$0x1F200] =	vst v63  }
0x77: {  	s6 =	simm.s32 @!p1 $0x3  }
0x78: {  	_ =	swait.ge @!p1 [sflag:s6], $0x2800  }
0x79: {  	[sflag:s6] =	ssyncset.done @!p1 $0x0  }
0x7a: {  	[sflag:s6] =	ssyncadd.s32 @!p1 $0xFFFFD800;
	s6 =	simm.s32 @!p1 $0x5  }
0x7b: {  	[spmem:s1] =	stream.indirect.scatter.add.f32 @!p1 [tilespmem:s7], [sflag:$0x6], $0x80, s16, s8, $0xb8;
	[tilespmem:$0x1F200] =	vst v63  }
0x7c: {  	_ =	swait.ge @!p1 [sflag:s6], $0x2800  }
0x7d: {  	[sflag:s6] =	ssyncset.done @!p1 $0x0  }
0x7e: {  	[sflag:s6] =	ssyncadd.s32 @!p1 $0xFFFFD800;
	s6 =	simm.s32 @!p1 $0x8  }
0x7f: {  	p2 =	sgt.u32 @!p1 s23, $0x27;
	_ =	swait.ge @!p1 [sflag:s6], $0x50  }
0x80: {  	p2 =	por p2, p1;
	[sflag:s6] =	ssyncset.done @!p1 $0x0  }
0x81: {  	s7 =	simm.s32 @!p2 $0x0;
	[sflag:s6] =	ssyncadd.s32 @!p1 $0xFFFFFFB0;
	s6 =	simm.s32 @!p1 $0x1A200  }
0x82: {  	[tilespmem:s6], [sflag:$0x2] =	stream.indirect.gather @!p1 [hbm4b:s4+s8], $0x80, s21, s8, $0xb8;
	[tilespmem:$0x1F200] =	vst v63  }
0x83: {  	s6 =	sadd.s32 @!p2 s20, s17;
	s8 =	simm.s32 @!p2 $0x17980;
	s20 =	sadd.s32 @!p1 $0x1E, s20  }
0x84: {  	[tilespmem:s8], [sflag:$0x9] =	stream.linear.gather @!p2 [hbm4b:s6+s7], $0x50, $0x38;
	[tilespmem:$0x1F200] =	vst v63  }
0x85: {  	p2 =	sne.s32 @!p1 s20, $0x4CE  }
0x86: {  	p2 =	por p1, !p2  }
.Ltmp0:
0x87: {  	_ = 	snop;
	(pc) =	sbr.rel @!p2 .LBB2_2-.Ltmp0, $2  }
0x88: {  	_ =	sdelay $0x2  }
0x89: {  	s23 =	sadd.s32 @!p1 $0x1, s23;
	s16 =	sadd.s32 @!p1 $0x180, s16  }
0x8a: {  	_ =	swait.ge [sflag:s11], $0x2800  }
0x8b: {  	[sflag:s11] =	ssyncset.done $0x0  }
0x8c: {  	[sflag:s11] =	ssyncadd.s32 $0xFFFFD800  }
0x8d: {  	[bflag:$0x0] =	sbarrier.arrive $0xFFFF  }
0x8e: {  	s6 =	simm.s32 @p0 $0x1FCA;
	s7 =	rddreg [dreg:$0x9]  }
0x8f: {  	[hbm:s7], [sflag:s6] =	dma.local @p0 [spmem:s22], $0x2800  }
0x90: {  	s6 =	simm.s32 @p0 $0xA  }
0x91: {  	_ =	swait.ge @p0 [sflag:s6], $0x2800  }
0x92: {  	[sflag:s6] =	ssyncset.done @p0 $0x0  }
0x93: {  	[sflag:s6] =	ssyncadd.s32 @p0 $0xFFFFD800;
	s6 =	rddreg [dreg:$0xe]  }
0x94: {  	s7 =	rddreg [dreg:$0x8];
	s6 =	sor.u32 @!p0 $0x1C0A, s6  }
0x95: {  	[hbm:s7], [sflag:s6] =	dma.local @!p0 [spmem:s15], $0x2700  }
0x96: {  	s6 =	simm.s32 @!p0 $0xA  }
0x97: {  	_ =	swait.ge @!p0 [sflag:s6], $0x2700  }
0x98: {  	s14 =	sadd.s32 $0x1, s14;
	s28 =	rddreg [dreg:$0xa]  }
0x99: {  	p1 =	sne.s32 s14, s28  }
.Ltmp1:
0x9a: {  	_ = 	snop;
	(pc) =	sbr.rel @p1 .LBB2_1-.Ltmp1, $3  }
0x9b: {  	_ =	sdelay $0x1  }
0x9c: {  	[sflag:s6] =	ssyncset.done @!p0 $0x0  }
0x9d: {  	[sflag:s6] =	ssyncadd.s32 @!p0 $0xFFFFD900  }
0x9e: {  	_ =	sfence.sel $0x180000  }
0x9f: {  	[bflag:$0x0] =	sbarrier.arrive $0xFFFF  }
0xa0: {  	_ =	strace $0x9000004A  }
0xa1: {  	s0 =	stileid.u32;
	[bflag:$0x2] =	sbarrier.arrive $0xFFFF  }
0xa2: {  	p0 =	sne.s32 s0, $0x0;
	s0 =	rddreg [dreg:$0x2]  }
0xa3: {  	s0 =	sadd.s32 @!p0 $0x100000, s0  }
0xa4: {  	[sflag:s0] =	ssyncadd.tile.s32 @!p0 $0x1;
	_ =	shalt  }
.Lfunc_end2:
_tile_overlayer_lowered:
.L_overlay_start_2:
0xa5: {  	(tag) =	ssettag $0x2  }
0xa6: {  	s0 =	rddreg [dreg:$0x0];
	s2 =	stileid.u32  }
0xa7: {  	s1 =	rddreg [dreg:$0x1];
	p0 =	sne.s32 s2, $0x0  }
0xa8: {  	s3 =	rddreg [dreg:$0x2];
	[bflag:$0x3] =	sbarrier.arrive $0xFFFF;
	s2 =	simm.s32 @!p0 $0x1C0A  }
0xa9: {  	[timem:s3], [sflag:s2] =	dma.local @!p0 [hbm:s0], s1  }
0xaa: {  	s0 =	simm.s32 @!p0 $0xA  }
0xab: {  	_ =	swait.ge @!p0 [sflag:s0], s1  }
0xac: {  	s1 =	ssub.s32 @!p0 $0x0, s1;
	[sflag:s0] =	ssyncset.done @!p0 $0x0  }
0xad: {  	[sflag:s0] =	ssyncadd.s32 @!p0 s1  }
0xae: {  	[bflag:$0x3] =	sbarrier.arrive $0xFFFF  }
0xaf: {  	_ =	shalt  }

// kernel: kernel.7.cloned.1.call-start
scs
__scs_entry_jumppad:
0x0: {  	(pc) =	sbr.rel $0x88, $3  }
0x1: {  	(tag) =	ssettag $0x0;
	lr =	simm.s32 $0x1  }
0x2: {  	[smem:$0x3F91] =	sst lr;
	_ =	strace $0xD0000000  }
0x3: {  	_ = 	snop  }
0x4: {  	_ = 	snop  }
0x5: {  	_ = 	snop  }
0x6: {  	_ = 	snop  }
0x7: {  	_ = 	snop  }
__scs_overlays_trampoline_lowered:
0x8: {  	[smem:$0x3FA0] =	sst s0  }
0x9: {  	[smem:$0x3FA1] =	sst s1  }
0xa: {  	[smem:$0x3FA2] =	sst s2  }
0xb: {  	[smem:$0x3FA3] =	sst s3  }
0xc: {  	[smem:$0x3FA4] =	sst s4  }
0xd: {  	[smem:$0x3FA5] =	sst s5  }
0xe: {  	[smem:$0x3FA6] =	sst s6  }
0xf: {  	[smem:$0x3FA7] =	sst s7  }
0x10: {  	[smem:$0x3FA8] =	sst s8  }
0x11: {  	[smem:$0x3FA9] =	sst s9;
	s0 =	simm.s32 @!p0 $0x0  }
0x12: {  	s1 =	sld [smem:$0x3F8F];
	s0 =	simm.s32 @p0 $0x1  }
0x13: {  	[smem:$0x3FAA] =	sst s0;
	s0 =	simm.s32 @!p1 $0x0  }
0x14: {  	s2 =	sld [smem:$0x3F8E];
	s0 =	simm.s32 @p1 $0x1  }
0x15: {  	[smem:$0x3FAB] =	sst s0;
	s0 =	simm.s32 @!p2 $0x0  }
0x16: {  	s3 =	sld [smem:$0x3FDB];
	s0 =	simm.s32 @p2 $0x1  }
0x17: {  	s4 =	simm.s32 $0x1BF5;
	[smem:$0x3FAD] =	sst s0  }
0x18: {  	s0 =	sld [smem:$0x3F90];
	_ =	swait.ge [sflag:s4], $0x0  }
0x19: {  	s7 =	sld [smem:$0x3F91]  }
0x1a: {  	s8 =	sadd.s32 $0xFFFFE003, lr  }
0x1b: {  	s9 =	sadd.s32 $0xFFFFFEF7, lr;
	s5 =	simm.s32 $0xFFFFFFFF;
	p2 =	slt.u32 s8, $0xFFFFF086  }
0x1c: {  	p1 =	slt.u32 s9, $0xF7A;
	s5 =	simm.s32 @!p2 $0x0  }
0x1d: {  	s5 =	simm.s32 @p1 $0x1;
	p0 =	seq.s32 s7, s2  }
0x1e: {  	s7 =	smul.u32 @!p0 $0xF7A, s2;
	p2 =	seq.s32 @!p0 s5, $0x0  }
0x1f: {  	s9 =	smul.u32 $0xF7A, s1;
	s8 =	simm.s32 @!p0 $0x1BF5;
	p2 =	por !p2, p0  }
0x20: {  	[sflag:s8] =	ssyncset.s32 @!p0 $0xFFFFF086;
	s6 =	sadd.s32 @!p0 s3, s7;
	s7 =	simm.s32 @!p0 $0x108  }
0x21: {  	s3 =	sadd.s32 s3, s9;
	s6 =	sadd.s32 @!p0 $0x88, s6;
	s7 =	simm.s32 @p2 $0x1082  }
0x22: {  	[simem:s7], [sflag:s8] =	dma.local @!p0 [hbm:s6], $0xF7A  }
0x23: {  	s9 =	sor.u32 $0xD0000000, s2;
	s6 =	simm.s32 $0x108;
	_ =	swait.ge @!p0 [sflag:s8], $0x0  }
0x24: {  	s3 =	sadd.s32 $0x88, s3;
	s6 =	simm.s32 @!p1 $0x1082;
	[sflag:s4] =	ssyncset.s32 $0xFFFFF086  }
0x25: {  	[simem:s6], [sflag:s4] =	dma.local [hbm:s3], $0xF7A  }
0x26: {  	[smem:$0x3F91] =	sst s1;
	(tag) =	ssettag s2;
	_ =	strace s9  }
0x27: {  	s1 =	sld [smem:$0x3FA1]  }
0x28: {  	s2 =	sld [smem:$0x3FA2]  }
0x29: {  	s4 =	sld [smem:$0x3FA4]  }
0x2a: {  	p0 =	seq.s32 s5, $0x0;
	s5 =	sld [smem:$0x3FA5]  }
0x2b: {  	s6 =	sld [smem:$0x3FA6]  }
0x2c: {  	s7 =	sld [smem:$0x3FA7]  }
0x2d: {  	s3 =	simm.s32 $0x108;
	s8 =	sld [smem:$0x3FA8]  }
0x2e: {  	s3 =	simm.s32 @!p0 $0x1082;
	s9 =	sld [smem:$0x3FA9]  }
0x2f: {  	lr =	sadd.s32 s0, s3;
	s0 =	sld [smem:$0x3FA0]  }
0x30: {  	s3 =	sld [smem:$0x3FA3]  }
0x31: {  	[smem:$0x3FAC] =	sst s10  }
0x32: {  	s10 =	sld [smem:$0x3FAA];
	_ =	sdelay $0x3  }
0x33: {  	p0 =	seq.s32 s10, $0x1;
	s10 =	sld [smem:$0x3FAC];
	_ =	sdelay $0x3  }
0x34: {  	[smem:$0x3FAC] =	sst s10  }
0x35: {  	s10 =	sld [smem:$0x3FAB];
	_ =	sdelay $0x3  }
0x36: {  	p1 =	seq.s32 s10, $0x1;
	s10 =	sld [smem:$0x3FAC];
	_ =	sdelay $0x3  }
0x37: {  	[smem:$0x3FAC] =	sst s10  }
0x38: {  	s10 =	sld [smem:$0x3FAD]  }
0x39: {  	_ = 	snop;
	(pc) =	sbr.ind lr, $3  }
0x3a: {  	_ = 	snop  }
0x3b: {  	_ = 	snop  }
0x3c: {  	p2 =	seq.s32 s10, $0x1;
	s10 =	sld [smem:$0x3FAC]  }
0x3d: {  	_ =	shalt  }
0x3e: {  	_ =	shalt  }
0x3f: {  	_ =	shalt  }
0x40: {  	_ =	shalt  }
0x41: {  	_ =	shalt  }
0x42: {  	_ =	shalt  }
0x43: {  	_ =	shalt  }
0x44: {  	_ =	shalt  }
0x45: {  	_ =	shalt  }
0x46: {  	_ =	shalt  }
0x47: {  	_ =	shalt  }
0x48: {  	_ =	shalt  }
0x49: {  	_ =	shalt  }
0x4a: {  	_ =	shalt  }
0x4b: {  	_ =	shalt  }
0x4c: {  	_ =	shalt  }
0x4d: {  	_ =	shalt  }
0x4e: {  	_ =	shalt  }
0x4f: {  	_ =	shalt  }
0x50: {  	_ =	shalt  }
0x51: {  	_ =	shalt  }
0x52: {  	_ =	shalt  }
0x53: {  	_ =	shalt  }
0x54: {  	_ =	shalt  }
0x55: {  	_ =	shalt  }
0x56: {  	_ =	shalt  }
0x57: {  	_ =	shalt  }
0x58: {  	_ =	shalt  }
0x59: {  	_ =	shalt  }
0x5a: {  	_ =	shalt  }
0x5b: {  	_ =	shalt  }
0x5c: {  	_ =	shalt  }
0x5d: {  	_ =	shalt  }
0x5e: {  	_ =	shalt  }
0x5f: {  	_ =	shalt  }
0x60: {  	_ =	shalt  }
0x61: {  	_ =	shalt  }
0x62: {  	_ =	shalt  }
0x63: {  	_ =	shalt  }
0x64: {  	_ =	shalt  }
0x65: {  	_ =	shalt  }
0x66: {  	_ =	shalt  }
0x67: {  	_ =	shalt  }
0x68: {  	_ =	shalt  }
0x69: {  	_ =	shalt  }
0x6a: {  	_ =	shalt  }
0x6b: {  	_ =	shalt  }
0x6c: {  	_ =	shalt  }
0x6d: {  	_ =	shalt  }
0x6e: {  	_ =	shalt  }
0x6f: {  	_ =	shalt  }
0x70: {  	_ =	shalt  }
0x71: {  	_ =	shalt  }
0x72: {  	_ =	shalt  }
0x73: {  	_ =	shalt  }
0x74: {  	_ =	shalt  }
0x75: {  	_ =	shalt  }
0x76: {  	_ =	shalt  }
0x77: {  	_ =	shalt  }
0x78: {  	_ =	shalt  }
0x79: {  	_ =	shalt  }
0x7a: {  	_ =	shalt  }
0x7b: {  	_ =	shalt  }
0x7c: {  	_ =	shalt  }
0x7d: {  	_ =	shalt  }
0x7e: {  	_ =	shalt  }
0x7f: {  	_ =	shalt  }
0x80: {  	_ =	shalt  }
0x81: {  	_ =	shalt  }
0x82: {  	_ =	shalt  }
0x83: {  	_ =	shalt  }
0x84: {  	_ =	shalt  }
0x85: {  	_ =	shalt  }
0x86: {  	_ =	shalt  }
0x87: {  	_ =	shalt  }
.Lfunc_end0:
.L_simem_size_0:
called_computation_lowered:
.L_overlay_start_0:
0x88: {  	s2 =	sld [smem:$0x3FD9]  }
0x89: {  	s3 =	sld [smem:$0x3FFE];
	_ =	sdelay $0x1  }
0x8a: {  	s1 =	srdreg.scid  }
0x8b: {  	s0 =	sand.u32 $0x1, s1  }
0x8c: {  	s17 =	sshll.u32 s0, $0xA;
	s2 =	sadd.s32 s3, s2  }
0x8d: {  	s2 =	sadd.s32 s2, s17  }
0x8e: {  	[smem:$0x3FB8] =	sst s2  }
0x8f: {  	_ = 	snop  }
0x90: {  	s2 =	sld [smem:$0x3FC9]  }
0x91: {  	s18 =	sld [smem:$0x3FC5];
	(tm) =	ssettm $0x1  }
0x92: {  	s4 =	sld [smem:$0x3FFB];
	_ =	sdelay $0x3  }
0x93: {  	_ =	strace s4  }
0x94: {  	s4 =	sld [smem:$0x3FFC];
	_ =	sdelay $0x3  }
0x95: {  	_ =	strace s4  }
0x96: {  	s4 =	sld [smem:$0x3FFD];
	_ =	sdelay $0x3  }
0x97: {  	_ =	strace s4  }
0x98: {  	_ =	strace $0x8FFFFFFF  }
0x99: {  	s19 =	sld [smem:$0x3FDB];
	_ =	sdelay $0x1  }
0x9a: {  	s5 =	simm.s32 $_scs_section_size  }
0x9b: {  	s6 =	simm.s32 $_size__tile_overlayer_lowered;
	s7 =	simm.s32 $_tile_overlayer_lowered  }
0x9c: {  	s22 =	simm.s32 $0x1BFF;
	s21 =	sshll.u32 s7, $0x1;
	s4 =	sadd.s32 s5, s19  }
0x9d: {  	s8 =	simm.s32 $0x0;
	s20 =	sshll.u32 s6, $0x1;
	s6 =	sadd.s32 s21, s4  }
0x9e: {  	[timem:s8], [sflag:s22] =	dma.local [hbm:s6], s20  }
0x9f: {  	_ =	swait.ge [sflag:s22], s20  }
0xa0: {  	s5 =	ssub.s32 $0x0, s20;
	[sflag:s22] =	ssyncset.done $0x0  }
0xa1: {  	[sflag:s22] =	ssyncadd.s32 s5;
	_ =	sdelay $0x1  }
0xa2: {  	s23 =	simm.s32 $0x1B8B  }
0xa3: {  	_ =	swait.ge [sflag:s23], $0x1  }
0xa4: {  	[sflag:s23] =	ssyncset.done $0x0  }
0xa5: {  	s25 =	simm.s32 $0x1B8E;
	s24 =	sld [smem:$0x3FFE];
	[sflag:s23] =	ssyncadd.s32 $0xFFFFFFFF  }
0xa6: {  	s26 =	simm.s32 $execute0_lowered;
	[smem:$0x3FD2] =	sst s25  }
0xa7: {  	s6 =	sshll.u32 s26, $0x1;
	_ =	strace $0x80000046;
	[dreg:$0x1] =	wrdreg $0xFFFFFFFF  }
0xa8: {  	s28 =	simm.s32 $_size_execute0_lowered;
	s4 =	sadd.s32 s4, s6;
	[dreg:$0x0] =	wrdreg $0x0  }
0xa9: {  	s6 =	sshll.u32 s28, $0x1;
	[dreg:$0x2] =	wrdreg s4  }
0xaa: {  	[dreg:$0x3] =	wrdreg s6  }
0xab: {  	[dreg:$0x4] =	wrdreg $0xC0  }
0xac: {  	_ =	task [dreg:s8], $0x5FFFF  }
0xad: {  	[dreg:$0x1] =	wrdreg $0xFFFFFFFF  }
0xae: {  	[dreg:$0x0] =	wrdreg $0x60  }
0xaf: {  	[dreg:$0x2] =	wrdreg s18  }
0xb0: {  	[dreg:$0x3] =	wrdreg s2  }
0xb1: {  	[dreg:$0x4] =	wrdreg s24  }
0xb2: {  	[dreg:$0x5] =	wrdreg $0x9  }
0xb3: {  	_ =	task.clear_ibuf [dreg:s8], $0x6FFFF;
	_ =	strace $0x90000046  }
0xb4: {  	s29 =	simm.s32 $0x9;
	_ =	strace $0x80000048  }
0xb5: {  	_ =	swait.ge [sflag:s29], $0x1  }
0xb6: {  	[sflag:s29] =	ssyncadd.s32 $0xFFFFFFFF  }
0xb7: {  	_ =	strace $0x90000048  }
0xb8: {  	_ =	sfence  }
0xb9: {  	s30 =	sld [smem:$0x0];
	_ =	sdelay $0x2  }
0xba: {  	s31 =	sshll.u32 s1, $0xD;
	s1 =	sshrl.u32 s1, $0x2  }
0xbb: {  	s3 =	sand.u32 $0x4000, s31;
	s1 =	sadd.s32 s1, s30  }
0xbc: {  	s0 =	sor.u32 s3, s0;
	s1 =	sshll.u32 s1, $0x11  }
0xbd: {  	s0 =	sor.u32 s1, s0  }
0xbe: {  	s0 =	sadd.s32 $0x8F2B, s0  }
0xbf: {  	[sflag:s0] =	ssyncadd.remote.s32 $0x1  }
0xc0: {  	_ =	sfence.sel $0xFFFF  }
0xc1: {  	[dreg:$0x0] =	wrdreg $0xFFFFFFFF;
	(pc) =	sbr.abs _section_cstart, $3  }
0xc2: {  	[dreg:$0x1] =	wrdreg $0xFFFFFFFF  }
0xc3: {  	_ =	task.clear_ibuf [dreg:s8], $0x2FFFF;
	_ =	strace $0x9FFFFFFF  }
0xc4: {  	(tm) =	ssettm $0x7FFFFFFF  }
0xc5: {  	_ =	shalt  }
tec
execute0_lowered:
.L_overlay_start_1:
0x0: {  	(tag) =	ssettag $0x1  }
0x1: {  	s0 =	srdreg.scid;
	s7 =	rddreg [dreg:$0x1]  }
0x2: {  	s1 =	stileid.u32;
	s9 =	rddreg [dreg:$0x2]  }
0x3: {  	s3 =	simm.s32 $0x0;
	s28 =	simm.s32 $0x5200;
	s19 =	simm.s32 $0x3  }
0x4: {  	s20 =	simm.s32 $0xA200;
	s22 =	simm.s32 $0xB200;
	s23 =	simm.s32 $0xBA00  }
0x5: {  	s24 =	simm.s32 $0xC200;
	s0 =	sand.u32 $0x1, s0;
	s1 =	sshll.u32 s1, $0x1  }
0x6: {  	s25 =	simm.s32 $0xCA00;
	s29 =	simm.s32 $0xD200;
	s2 =	sor.u32 s0, s1  }
0x7: {  	s30 =	simm.s32 $0xDA00;
	s31 =	simm.s32 $0xE200;
	s4 =	smul.u32 $0xA, s2  }
0x8: {  	s17 =	simm.s32 $0x7;
	s5 =	sor.u32 $0x20, s2;
	s13 =	smul.u32 $0xA00, s2  }
0x9: {  	[smem:$0x7FF] =	sst s3;
	s8 =	sor.u32 $0x40, s2;
	s6 =	smul.u32 $0xA, s5  }
0xa: {  	s16 =	sadd.s32 $0x1800, s9;
	s11 =	sor.u32 $0x60, s2;
	s10 =	smul.u32 $0xA, s8  }
0xb: {  	s1 =	rddreg [dreg:$0x0];
	s0 =	ssub.s32 $0x2, s0;
	s12 =	smul.u32 $0xA, s11  }
0xc: {  	_ =	strace $0x80000047;
	s14 =	sshrl.u32 s0, $0x1;
	s15 =	smul.u32 $0xA00, s5  }
0xd: {  	p0 =	sgt.u32 s2, $0x1C;
	s2 =	simm.s32 $0xEA00;
	s26 =	smul.u32 $0xA00, s8  }
0xe: {  	s0 =	ssub.s32 s0, s14;
	s11 =	smul.u32 $0xA00, s11;
	s14 =	simm.s32 $0x6  }
.Ltmp0:
0xf: {  	s4 =	sadd.s32 s7, s4;
	s8 =	sadd.s32 s16, s13;
	(pc) =	sbr.rel .LBB2_1-.Ltmp0, $4  }
0x10: {  	s13 =	simm.s32 $0x5;
	s5 =	sadd.s32 s7, s6;
	s6 =	sadd.s32 s7, s10  }
0x11: {  	v2 =	vlaneseq.u32;
	s7 =	sadd.s32 s7, s12;
	s9 =	sadd.s32 s16, s15;
	s10 =	sadd.s32 s16, s26  }
0x12: {  	vm0 =	vmmov $0xffff;
	v1 =	vshrl.u32 v2, $0x3;
	s11 =	sadd.s32 s16, s11;
	s12 =	smax.u32 s0, $0x1;
	s15 =	simm.s32 $0x1  }
0x13: {  	v0 =	vand.u32 $0x7, v2;
	v2 =	vor.u32 $0x8, v2;
	v1 =	vmul.u32 $0x8, v1;
	s16 =	simm.s32 $0x200;
	s26 =	simm.s32 $0x2;
	s0 =	simm.s32 $0x4  }
.LBB2_3:
0x14: {  	_ =	swait.ge [sflag:s13], $0x5000  }
0x15: {  	[sflag:s13] =	ssyncset.done $0x0  }
0x16: {  	[sflag:s13] =	ssyncadd.s32 $0xFFFFB000  }
0x17: {  	[hbm4b:s8+s3] =	stream.linear.scatter [tilespmem:s16], [sflag:$0x9], $0x5000, $0x38;
	[tilespmem:$0x14200] =	vst v63  }
0x18: {  	_ =	swait.ge [sflag:s14], $0x5000  }
0x19: {  	[sflag:s14] =	ssyncset.done $0x0  }
0x1a: {  	[sflag:s14] =	ssyncadd.s32 $0xFFFFB000  }
0x1b: {  	[hbm4b:s9+s3] =	stream.linear.scatter [tilespmem:s28], [sflag:$0xA], $0x5000, $0x38;
	[tilespmem:$0x14200] =	vst v63  }
0x1c: {  	_ =	swait.ge [sflag:s17], $0x5000  }
0x1d: {  	[sflag:s17] =	ssyncset.done $0x0  }
0x1e: {  	s21 =	simm.s32 @!p0 $0x8;
	[sflag:s17] =	ssyncadd.s32 $0xFFFFB000  }
0x1f: {  	[hbm4b:s10+s3] =	stream.linear.scatter [tilespmem:s20], [sflag:$0xB], $0x5000, $0x38;
	[tilespmem:$0x14200] =	vst v63  }
0x20: {  	_ =	swait.ge @!p0 [sflag:s21], $0x5000  }
0x21: {  	[sflag:s21] =	ssyncset.done @!p0 $0x0  }
0x22: {  	[sflag:s21] =	ssyncadd.s32 @!p0 $0xFFFFB000;
	s21 =	simm.s32 @!p0 $0xF200  }
0x23: {  	[hbm4b:s11+s18] =	stream.linear.scatter @!p0 [tilespmem:s21], [sflag:$0xC], $0x5000, $0x38;
	[tilespmem:$0x14200] =	vst v63  }
0x24: {  	s18 =	simm.s32 @!p0 $0x9  }
0x25: {  	_ =	swait.ge @!p0 [sflag:s18], $0x5000  }
0x26: {  	s21 =	simm.s32 @!p0 $0xA;
	[sflag:s18] =	ssyncset.done @!p0 $0x0  }
0x27: {  	s21 =	simm.s32 @p0 $0x9;
	[sflag:s18] =	ssyncadd.s32 @!p0 $0xFFFFB000  }
0x28: {  	_ =	swait.ge [sflag:s21], $0x5000  }
0x29: {  	s18 =	simm.s32 @!p0 $0xB;
	[sflag:s21] =	ssyncset.done $0x0  }
0x2a: {  	s12 =	sadd.s32 $0xFFFFFFFF, s12;
	s18 =	simm.s32 @p0 $0xA;
	[sflag:s21] =	ssyncadd.s32 $0xFFFFB000  }
0x2b: {  	p1 =	sne.s32 s12, $0x0;
	_ =	swait.ge [sflag:s18], $0x5000  }
.Ltmp1:
0x2c: {  	s21 =	simm.s32 @!p0 $0xC;
	[sflag:s18] =	ssyncset.done $0x0;
	(pc) =	sbr.rel @!p1 .LBB2_4-.Ltmp1, $4  }
0x2d: {  	s21 =	simm.s32 @p0 $0xB;
	[sflag:s18] =	ssyncadd.s32 $0xFFFFB000  }
0x2e: {  	_ =	swait.ge [sflag:s21], $0x5000  }
0x2f: {  	[sflag:s21] =	ssyncset.done $0x0  }
0x30: {  	[sflag:s21] =	ssyncadd.s32 $0xFFFFB000  }
.LBB2_1:
0x31: {  	[tilespmem:s3], [sflag:$0x1] =	stream.linear.gather [hbm4b:s4+s3], $0x50, $0x38;
	[tilespmem:$0x14200] =	vst v63  }
0x32: {  	s18 =	simm.s32 $0x80  }
0x33: {  	[tilespmem:s18], [sflag:$0x2] =	stream.linear.gather [hbm4b:s5+s3], $0x50, $0x38;
	[tilespmem:$0x14200] =	vst v63  }
0x34: {  	s21 =	simm.s32 $0x100  }
0x35: {  	[tilespmem:s21], [sflag:$0x3] =	stream.linear.gather [hbm4b:s6+s3], $0x50, $0x38;
	[tilespmem:$0x14200] =	vst v63  }
0x36: {  	s18 =	simm.s32 @!p0 $0x0;
	s21 =	simm.s32 @!p0 $0x180  }
0x37: {  	[tilespmem:s21], [sflag:$0x4] =	stream.linear.gather @!p0 [hbm4b:s7+s18], $0x50, $0x38;
	[tilespmem:$0x14200] =	vst v63  }
0x38: {  	_ =	swait.ge [sflag:s15], $0x50  }
0x39: {  	[sflag:s15] =	ssyncset.done $0x0  }
0x3a: {  	[sflag:s15] =	ssyncadd.s32 $0xFFFFFFB0  }
0x3b: {  	v3 =	vld [tilespmem:$0x0];
	_ =	sdelay $0x4  }
0x3c: {  	v4 =	vshll.u32 v3, $0x1  }
0x3d: {  	v3 =	vand.u32 $0x7, v3;
	v4 =	vand.u32 $0xFFFFFFF0, v4  }
0x3e: {  	v3 =	vor.u32 v3, v4  }
0x3f: {  	v4 =	vperm.xlane v3, v0;
	_ =	sdelay $0x1  }
0x40: {  	v3 =	vperm.xlane v3, v2;
	v4 =	vadd.s32 v1, v4;
	_ =	sdelay $0x1  }
0x41: {  	v3 =	vadd.s32 v1, v3;
	_ =	sdelay $0x2  }
0x42: {  	[tilespmem:s16], [sflag:$0x5] =	stream.indirect_vreg.gather [hbm4b:s1+s3], $0x80, v4, vm0, $0xb8;
	[tilespmem:$0x14200] =	vst v63  }
0x43: {  	s21 =	simm.s32 $0xA00  }
0x44: {  	[tilespmem:s21], [sflag:$0x5] =	stream.indirect_vreg.gather [hbm4b:s1+s3], $0x80, v3, vm0, $0xb8;
	[tilespmem:$0x14200] =	vst v63  }
0x45: {  	v3 =	vld [tilespmem:$0x10];
	_ =	sdelay $0x4  }
0x46: {  	v50 =	vshll.u32 v3, $0x1  }
0x47: {  	v3 =	vand.u32 $0x7, v3;
	v4 =	vand.u32 $0xFFFFFFF0, v50  }
0x48: {  	v3 =	vor.u32 v3, v4  }
0x49: {  	v4 =	vperm.xlane v3, v0;
	_ =	sdelay $0x1  }
0x4a: {  	v3 =	vperm.xlane v3, v2;
	v4 =	vadd.s32 v1, v4;
	_ =	sdelay $0x1  }
0x4b: {  	v3 =	vadd.s32 v1, v3;
	_ =	sdelay $0x1  }
0x4c: {  	s21 =	simm.s32 $0x1200  }
0x4d: {  	[tilespmem:s21], [sflag:$0x5] =	stream.indirect_vreg.gather [hbm4b:s1+s3], $0x80, v4, vm0, $0xb8;
	[tilespmem:$0x14200] =	vst v63  }
0x4e: {  	s21 =	simm.s32 $0x1A00  }
0x4f: {  	[tilespmem:s21], [sflag:$0x5] =	stream.indirect_vreg.gather [hbm4b:s1+s3], $0x80, v3, vm0, $0xb8;
	[tilespmem:$0x14200] =	vst v63  }
0x50: {  	v3 =	vld [tilespmem:$0x20];
	_ =	sdelay $0x4  }
0x51: {  	v51 =	vshll.u32 v3, $0x1  }
0x52: {  	v3 =	vand.u32 $0x7, v3;
	v4 =	vand.u32 $0xFFFFFFF0, v51  }
0x53: {  	v3 =	vor.u32 v3, v4  }
0x54: {  	v4 =	vperm.xlane v3, v0;
	_ =	sdelay $0x1  }
0x55: {  	v3 =	vperm.xlane v3, v2;
	v4 =	vadd.s32 v1, v4;
	_ =	sdelay $0x1  }
0x56: {  	v3 =	vadd.s32 v1, v3;
	_ =	sdelay $0x1  }
0x57: {  	s21 =	simm.s32 $0x2200  }
0x58: {  	[tilespmem:s21], [sflag:$0x5] =	stream.indirect_vreg.gather [hbm4b:s1+s3], $0x80, v4, vm0, $0xb8;
	[tilespmem:$0x14200] =	vst v63  }
0x59: {  	s21 =	simm.s32 $0x2A00  }
0x5a: {  	[tilespmem:s21], [sflag:$0x5] =	stream.indirect_vreg.gather [hbm4b:s1+s3], $0x80, v3, vm0, $0xb8;
	[tilespmem:$0x14200] =	vst v63  }
0x5b: {  	v3 =	vld [tilespmem:$0x30];
	_ =	sdelay $0x4  }
0x5c: {  	v52 =	vshll.u32 v3, $0x1  }
0x5d: {  	v3 =	vand.u32 $0x7, v3;
	v4 =	vand.u32 $0xFFFFFFF0, v52  }
0x5e: {  	v3 =	vor.u32 v3, v4  }
0x5f: {  	v4 =	vperm.xlane v3, v0;
	_ =	sdelay $0x1  }
0x60: {  	v3 =	vperm.xlane v3, v2;
	v4 =	vadd.s32 v1, v4;
	_ =	sdelay $0x1  }
0x61: {  	v3 =	vadd.s32 v1, v3;
	_ =	sdelay $0x1  }
0x62: {  	s21 =	simm.s32 $0x3200  }
0x63: {  	[tilespmem:s21], [sflag:$0x5] =	stream.indirect_vreg.gather [hbm4b:s1+s3], $0x80, v4, vm0, $0xb8;
	[tilespmem:$0x14200] =	vst v63  }
0x64: {  	s21 =	simm.s32 $0x3A00  }
0x65: {  	[tilespmem:s21], [sflag:$0x5] =	stream.indirect_vreg.gather [hbm4b:s1+s3], $0x80, v3, vm0, $0xb8;
	[tilespmem:$0x14200] =	vst v63  }
0x66: {  	v3 =	vld [tilespmem:$0x40];
	_ =	sdelay $0x4  }
0x67: {  	v53 =	vshll.u32 v3, $0x1  }
0x68: {  	v3 =	vand.u32 $0x7, v3;
	v4 =	vand.u32 $0xFFFFFFF0, v53  }
0x69: {  	v3 =	vor.u32 v3, v4  }
0x6a: {  	v4 =	vperm.xlane v3, v0;
	_ =	sdelay $0x1  }
0x6b: {  	v3 =	vperm.xlane v3, v2;
	v4 =	vadd.s32 v1, v4;
	_ =	sdelay $0x1  }
0x6c: {  	v3 =	vadd.s32 v1, v3;
	_ =	sdelay $0x1  }
0x6d: {  	s21 =	simm.s32 $0x4200  }
0x6e: {  	[tilespmem:s21], [sflag:$0x5] =	stream.indirect_vreg.gather [hbm4b:s1+s3], $0x80, v4, vm0, $0xb8;
	[tilespmem:$0x14200] =	vst v63  }
0x6f: {  	s21 =	simm.s32 $0x4A00  }
0x70: {  	[tilespmem:s21], [sflag:$0x5] =	stream.indirect_vreg.gather [hbm4b:s1+s3], $0x80, v3, vm0, $0xb8;
	[tilespmem:$0x14200] =	vst v63  }
0x71: {  	_ =	swait.ge [sflag:s26], $0x50  }
0x72: {  	[sflag:s26] =	ssyncset.done $0x0  }
0x73: {  	[sflag:s26] =	ssyncadd.s32 $0xFFFFFFB0  }
0x74: {  	v3 =	vld [tilespmem:$0x80];
	_ =	sdelay $0x4  }
0x75: {  	v54 =	vshll.u32 v3, $0x1  }
0x76: {  	v3 =	vand.u32 $0x7, v3;
	v4 =	vand.u32 $0xFFFFFFF0, v54  }
0x77: {  	v3 =	vor.u32 v3, v4  }
0x78: {  	v4 =	vperm.xlane v3, v0;
	_ =	sdelay $0x1  }
0x79: {  	v3 =	vperm.xlane v3, v2;
	v4 =	vadd.s32 v1, v4;
	_ =	sdelay $0x1  }
0x7a: {  	v3 =	vadd.s32 v1, v3;
	_ =	sdelay $0x2  }
0x7b: {  	[tilespmem:s28], [sflag:$0x6] =	stream.indirect_vreg.gather [hbm4b:s1+s3], $0x80, v4, vm0, $0xb8;
	[tilespmem:$0x14200] =	vst v63  }
0x7c: {  	s21 =	simm.s32 $0x5A00  }
0x7d: {  	[tilespmem:s21], [sflag:$0x6] =	stream.indirect_vreg.gather [hbm4b:s1+s3], $0x80, v3, vm0, $0xb8;
	[tilespmem:$0x14200] =	vst v63  }
0x7e: {  	v3 =	vld [tilespmem:$0x90];
	_ =	sdelay $0x4  }
0x7f: {  	v55 =	vshll.u32 v3, $0x1  }
0x80: {  	v3 =	vand.u32 $0x7, v3;
	v4 =	vand.u32 $0xFFFFFFF0, v55  }
0x81: {  	v3 =	vor.u32 v3, v4  }
0x82: {  	v4 =	vperm.xlane v3, v0;
	_ =	sdelay $0x1  }
0x83: {  	v3 =	vperm.xlane v3, v2;
	v4 =	vadd.s32 v1, v4;
	_ =	sdelay $0x1  }
0x84: {  	v3 =	vadd.s32 v1, v3;
	_ =	sdelay $0x1  }
0x85: {  	s21 =	simm.s32 $0x6200  }
0x86: {  	[tilespmem:s21], [sflag:$0x6] =	stream.indirect_vreg.gather [hbm4b:s1+s3], $0x80, v4, vm0, $0xb8;
	[tilespmem:$0x14200] =	vst v63  }
0x87: {  	s21 =	simm.s32 $0x6A00  }
0x88: {  	[tilespmem:s21], [sflag:$0x6] =	stream.indirect_vreg.gather [hbm4b:s1+s3], $0x80, v3, vm0, $0xb8;
	[tilespmem:$0x14200] =	vst v63  }
0x89: {  	v3 =	vld [tilespmem:$0xA0];
	_ =	sdelay $0x4  }
0x8a: {  	v56 =	vshll.u32 v3, $0x1  }
0x8b: {  	v3 =	vand.u32 $0x7, v3;
	v4 =	vand.u32 $0xFFFFFFF0, v56  }
0x8c: {  	v3 =	vor.u32 v3, v4  }
0x8d: {  	v4 =	vperm.xlane v3, v0;
	_ =	sdelay $0x1  }
0x8e: {  	v3 =	vperm.xlane v3, v2;
	v4 =	vadd.s32 v1, v4;
	_ =	sdelay $0x1  }
0x8f: {  	v3 =	vadd.s32 v1, v3;
	_ =	sdelay $0x1  }
0x90: {  	s21 =	simm.s32 $0x7200  }
0x91: {  	[tilespmem:s21], [sflag:$0x6] =	stream.indirect_vreg.gather [hbm4b:s1+s3], $0x80, v4, vm0, $0xb8;
	[tilespmem:$0x14200] =	vst v63  }
0x92: {  	s21 =	simm.s32 $0x7A00  }
0x93: {  	[tilespmem:s21], [sflag:$0x6] =	stream.indirect_vreg.gather [hbm4b:s1+s3], $0x80, v3, vm0, $0xb8;
	[tilespmem:$0x14200] =	vst v63  }
0x94: {  	v3 =	vld [tilespmem:$0xB0];
	_ =	sdelay $0x4  }
0x95: {  	v57 =	vshll.u32 v3, $0x1  }
0x96: {  	v3 =	vand.u32 $0x7, v3;
	v4 =	vand.u32 $0xFFFFFFF0, v57  }
0x97: {  	v3 =	vor.u32 v3, v4  }
0x98: {  	v4 =	vperm.xlane v3, v0;
	_ =	sdelay $0x1  }
0x99: {  	v3 =	vperm.xlane v3, v2;
	v4 =	vadd.s32 v1, v4;
	_ =	sdelay $0x1  }
0x9a: {  	v3 =	vadd.s32 v1, v3;
	_ =	sdelay $0x1  }
0x9b: {  	s21 =	simm.s32 $0x8200  }
0x9c: {  	[tilespmem:s21], [sflag:$0x6] =	stream.indirect_vreg.gather [hbm4b:s1+s3], $0x80, v4, vm0, $0xb8;
	[tilespmem:$0x14200] =	vst v63  }
0x9d: {  	s21 =	simm.s32 $0x8A00  }
0x9e: {  	[tilespmem:s21], [sflag:$0x6] =	stream.indirect_vreg.gather [hbm4b:s1+s3], $0x80, v3, vm0, $0xb8;
	[tilespmem:$0x14200] =	vst v63  }
0x9f: {  	v3 =	vld [tilespmem:$0xC0];
	_ =	sdelay $0x4  }
0xa0: {  	v58 =	vshll.u32 v3, $0x1  }
0xa1: {  	v3 =	vand.u32 $0x7, v3;
	v4 =	vand.u32 $0xFFFFFFF0, v58  }
0xa2: {  	v3 =	vor.u32 v3, v4  }
0xa3: {  	v4 =	vperm.xlane v3, v0;
	_ =	sdelay $0x1  }
0xa4: {  	v3 =	vperm.xlane v3, v2;
	v4 =	vadd.s32 v1, v4;
	_ =	sdelay $0x1  }
0xa5: {  	v3 =	vadd.s32 v1, v3;
	_ =	sdelay $0x1  }
0xa6: {  	s21 =	simm.s32 $0x9200  }
0xa7: {  	[tilespmem:s21], [sflag:$0x6] =	stream.indirect_vreg.gather [hbm4b:s1+s3], $0x80, v4, vm0, $0xb8;
	[tilespmem:$0x14200] =	vst v63  }
0xa8: {  	s21 =	simm.s32 $0x9A00  }
0xa9: {  	[tilespmem:s21], [sflag:$0x6] =	stream.indirect_vreg.gather [hbm4b:s1+s3], $0x80, v3, vm0, $0xb8;
	[tilespmem:$0x14200] =	vst v63  }
0xaa: {  	_ =	swait.ge [sflag:s19], $0x50  }
0xab: {  	[sflag:s19] =	ssyncset.done $0x0  }
0xac: {  	[sflag:s19] =	ssyncadd.s32 $0xFFFFFFB0  }
0xad: {  	v3 =	vld [tilespmem:$0x100];
	_ =	sdelay $0x4  }
0xae: {  	v59 =	vshll.u32 v3, $0x1  }
0xaf: {  	v3 =	vand.u32 $0x7, v3;
	v4 =	vand.u32 $0xFFFFFFF0, v59  }
0xb0: {  	v3 =	vor.u32 v3, v4  }
0xb1: {  	v4 =	vperm.xlane v3, v0;
	_ =	sdelay $0x1  }
0xb2: {  	v3 =	vperm.xlane v3, v2;
	v4 =	vadd.s32 v1, v4;
	_ =	sdelay $0x1  }
0xb3: {  	v3 =	vadd.s32 v1, v3;
	_ =	sdelay $0x2  }
0xb4: {  	[tilespmem:s20], [sflag:$0x7] =	stream.indirect_vreg.gather [hbm4b:s1+s3], $0x80, v4, vm0, $0xb8;
	[tilespmem:$0x14200] =	vst v63  }
0xb5: {  	s21 =	simm.s32 $0xAA00  }
0xb6: {  	[tilespmem:s21], [sflag:$0x7] =	stream.indirect_vreg.gather [hbm4b:s1+s3], $0x80, v3, vm0, $0xb8;
	[tilespmem:$0x14200] =	vst v63  }
0xb7: {  	v3 =	vld [tilespmem:$0x110];
	_ =	sdelay $0x4  }
0xb8: {  	v60 =	vshll.u32 v3, $0x1  }
0xb9: {  	v3 =	vand.u32 $0x7, v3;
	v4 =	vand.u32 $0xFFFFFFF0, v60  }
0xba: {  	v3 =	vor.u32 v3, v4  }
0xbb: {  	v4 =	vperm.xlane v3, v0;
	_ =	sdelay $0x1  }
0xbc: {  	v3 =	vperm.xlane v3, v2;
	v4 =	vadd.s32 v1, v4;
	_ =	sdelay $0x1  }
0xbd: {  	v3 =	vadd.s32 v1, v3;
	_ =	sdelay $0x2  }
0xbe: {  	[tilespmem:s22], [sflag:$0x7] =	stream.indirect_vreg.gather [hbm4b:s1+s3], $0x80, v4, vm0, $0xb8;
	[tilespmem:$0x14200] =	vst v63  }
0xbf: {  	_ = 	snop  }
0xc0: {  	[tilespmem:s23], [sflag:$0x7] =	stream.indirect_vreg.gather [hbm4b:s1+s3], $0x80, v3, vm0, $0xb8;
	[tilespmem:$0x14200] =	vst v63  }
0xc1: {  	v3 =	vld [tilespmem:$0x120];
	_ =	sdelay $0x4  }
0xc2: {  	v61 =	vshll.u32 v3, $0x1  }
0xc3: {  	v3 =	vand.u32 $0x7, v3;
	v4 =	vand.u32 $0xFFFFFFF0, v61  }
0xc4: {  	v3 =	vor.u32 v3, v4  }
0xc5: {  	v4 =	vperm.xlane v3, v0;
	_ =	sdelay $0x1  }
0xc6: {  	v3 =	vperm.xlane v3, v2;
	v4 =	vadd.s32 v1, v4;
	_ =	sdelay $0x1  }
0xc7: {  	v3 =	vadd.s32 v1, v3;
	_ =	sdelay $0x2  }
0xc8: {  	[tilespmem:s24], [sflag:$0x7] =	stream.indirect_vreg.gather [hbm4b:s1+s3], $0x80, v4, vm0, $0xb8;
	[tilespmem:$0x14200] =	vst v63  }
0xc9: {  	_ = 	snop  }
0xca: {  	[tilespmem:s25], [sflag:$0x7] =	stream.indirect_vreg.gather [hbm4b:s1+s3], $0x80, v3, vm0, $0xb8;
	[tilespmem:$0x14200] =	vst v63  }
0xcb: {  	v3 =	vld [tilespmem:$0x130];
	_ =	sdelay $0x4  }
0xcc: {  	v62 =	vshll.u32 v3, $0x1  }
0xcd: {  	v3 =	vand.u32 $0x7, v3;
	v4 =	vand.u32 $0xFFFFFFF0, v62  }
0xce: {  	v3 =	vor.u32 v3, v4  }
0xcf: {  	v4 =	vperm.xlane v3, v0;
	_ =	sdelay $0x1  }
0xd0: {  	v3 =	vperm.xlane v3, v2;
	v4 =	vadd.s32 v1, v4;
	_ =	sdelay $0x1  }
0xd1: {  	v3 =	vadd.s32 v1, v3;
	_ =	sdelay $0x2  }
0xd2: {  	[tilespmem:s29], [sflag:$0x7] =	stream.indirect_vreg.gather [hbm4b:s1+s3], $0x80, v4, vm0, $0xb8;
	[tilespmem:$0x14200] =	vst v63  }
0xd3: {  	_ = 	snop  }
0xd4: {  	[tilespmem:s30], [sflag:$0x7] =	stream.indirect_vreg.gather [hbm4b:s1+s3], $0x80, v3, vm0, $0xb8;
	[tilespmem:$0x14200] =	vst v63  }
0xd5: {  	v3 =	vld [tilespmem:$0x140];
	_ =	sdelay $0x4  }
0xd6: {  	v63 =	vshll.u32 v3, $0x1  }
0xd7: {  	v3 =	vand.u32 $0x7, v3;
	v4 =	vand.u32 $0xFFFFFFF0, v63  }
0xd8: {  	v3 =	vor.u32 v3, v4  }
0xd9: {  	v4 =	vperm.xlane v3, v0;
	_ =	sdelay $0x1  }
0xda: {  	v3 =	vperm.xlane v3, v2;
	v4 =	vadd.s32 v1, v4;
	_ =	sdelay $0x1  }
0xdb: {  	v3 =	vadd.s32 v1, v3  }
.Ltmp2:
0xdc: {  	_ = 	snop;
	(pc) =	sbr.rel @p0 .LBB2_3-.Ltmp2, $4  }
0xdd: {  	_ = 	snop  }
0xde: {  	[tilespmem:s31], [sflag:$0x7] =	stream.indirect_vreg.gather [hbm4b:s1+s3], $0x80, v4, vm0, $0xb8;
	[tilespmem:$0x14200] =	vst v63  }
0xdf: {  	_ = 	snop  }
0xe0: {  	[tilespmem:s2], [sflag:$0x7] =	stream.indirect_vreg.gather [hbm4b:s1+s3], $0x80, v3, vm0, $0xb8;
	[tilespmem:$0x14200] =	vst v63  }
0xe1: {  	_ =	swait.ge [sflag:s0], $0x50  }
0xe2: {  	[sflag:s0] =	ssyncset.done $0x0  }
0xe3: {  	[sflag:s0] =	ssyncadd.s32 $0xFFFFFFB0  }
0xe4: {  	v3 =	vld [tilespmem:$0x180];
	_ =	sdelay $0x4  }
0xe5: {  	v4 =	vshll.u32 v3, $0x1  }
0xe6: {  	v3 =	vand.u32 $0x7, v3;
	v4 =	vand.u32 $0xFFFFFFF0, v4  }
0xe7: {  	v3 =	vor.u32 v3, v4  }
0xe8: {  	v4 =	vperm.xlane v3, v0;
	_ =	sdelay $0x1  }
0xe9: {  	v3 =	vperm.xlane v3, v2;
	v4 =	vadd.s32 v1, v4;
	_ =	sdelay $0x1  }
0xea: {  	v3 =	vadd.s32 v1, v3;
	_ =	sdelay $0x1  }
0xeb: {  	s21 =	simm.s32 $0xF200  }
0xec: {  	[tilespmem:s21], [sflag:$0x8] =	stream.indirect_vreg.gather [hbm4b:s1+s3], $0x80, v4, vm0, $0xb8;
	[tilespmem:$0x14200] =	vst v63  }
0xed: {  	s21 =	simm.s32 $0xFA00  }
0xee: {  	[tilespmem:s21], [sflag:$0x8] =	stream.indirect_vreg.gather [hbm4b:s1+s3], $0x80, v3, vm0, $0xb8;
	[tilespmem:$0x14200] =	vst v63  }
0xef: {  	v3 =	vld [tilespmem:$0x190];
	_ =	sdelay $0x4  }
0xf0: {  	v60 =	vshll.u32 v3, $0x1  }
0xf1: {  	v3 =	vand.u32 $0x7, v3;
	v4 =	vand.u32 $0xFFFFFFF0, v60  }
0xf2: {  	v3 =	vor.u32 v3, v4  }
0xf3: {  	v4 =	vperm.xlane v3, v0;
	_ =	sdelay $0x1  }
0xf4: {  	v3 =	vperm.xlane v3, v2;
	v4 =	vadd.s32 v1, v4;
	_ =	sdelay $0x1  }
0xf5: {  	v3 =	vadd.s32 v1, v3;
	_ =	sdelay $0x1  }
0xf6: {  	s21 =	simm.s32 $0x10200  }
0xf7: {  	[tilespmem:s21], [sflag:$0x8] =	stream.indirect_vreg.gather [hbm4b:s1+s3], $0x80, v4, vm0, $0xb8;
	[tilespmem:$0x14200] =	vst v63  }
0xf8: {  	s21 =	simm.s32 $0x10A00  }
0xf9: {  	[tilespmem:s21], [sflag:$0x8] =	stream.indirect_vreg.gather [hbm4b:s1+s3], $0x80, v3, vm0, $0xb8;
	[tilespmem:$0x14200] =	vst v63  }
0xfa: {  	v3 =	vld [tilespmem:$0x1A0];
	_ =	sdelay $0x4  }
0xfb: {  	v61 =	vshll.u32 v3, $0x1  }
0xfc: {  	v3 =	vand.u32 $0x7, v3;
	v4 =	vand.u32 $0xFFFFFFF0, v61  }
0xfd: {  	v3 =	vor.u32 v3, v4  }
0xfe: {  	v4 =	vperm.xlane v3, v0;
	_ =	sdelay $0x1  }
0xff: {  	v3 =	vperm.xlane v3, v2;
	v4 =	vadd.s32 v1, v4;
	_ =	sdelay $0x1  }
0x100: {  	v3 =	vadd.s32 v1, v3;
	_ =	sdelay $0x1  }
0x101: {  	s21 =	simm.s32 $0x11200  }
0x102: {  	[tilespmem:s21], [sflag:$0x8] =	stream.indirect_vreg.gather [hbm4b:s1+s3], $0x80, v4, vm0, $0xb8;
	[tilespmem:$0x14200] =	vst v63  }
0x103: {  	s21 =	simm.s32 $0x11A00  }
0x104: {  	[tilespmem:s21], [sflag:$0x8] =	stream.indirect_vreg.gather [hbm4b:s1+s3], $0x80, v3, vm0, $0xb8;
	[tilespmem:$0x14200] =	vst v63  }
0x105: {  	v3 =	vld [tilespmem:$0x1B0];
	_ =	sdelay $0x4  }
0x106: {  	v62 =	vshll.u32 v3, $0x1  }
0x107: {  	v3 =	vand.u32 $0x7, v3;
	v4 =	vand.u32 $0xFFFFFFF0, v62  }
0x108: {  	v3 =	vor.u32 v3, v4  }
0x109: {  	v4 =	vperm.xlane v3, v0;
	_ =	sdelay $0x1  }
0x10a: {  	v3 =	vperm.xlane v3, v2;
	v4 =	vadd.s32 v1, v4;
	_ =	sdelay $0x1  }
0x10b: {  	v3 =	vadd.s32 v1, v3;
	_ =	sdelay $0x1  }
0x10c: {  	s21 =	simm.s32 $0x12200  }
0x10d: {  	[tilespmem:s21], [sflag:$0x8] =	stream.indirect_vreg.gather [hbm4b:s1+s3], $0x80, v4, vm0, $0xb8;
	[tilespmem:$0x14200] =	vst v63  }
0x10e: {  	s21 =	simm.s32 $0x12A00  }
0x10f: {  	[tilespmem:s21], [sflag:$0x8] =	stream.indirect_vreg.gather [hbm4b:s1+s3], $0x80, v3, vm0, $0xb8;
	[tilespmem:$0x14200] =	vst v63  }
0x110: {  	v3 =	vld [tilespmem:$0x1C0];
	_ =	sdelay $0x4  }
0x111: {  	v63 =	vshll.u32 v3, $0x1  }
0x112: {  	v3 =	vand.u32 $0x7, v3;
	v4 =	vand.u32 $0xFFFFFFF0, v63  }
0x113: {  	v3 =	vor.u32 v3, v4  }
0x114: {  	v4 =	vperm.xlane v3, v0;
	_ =	sdelay $0x1  }
0x115: {  	v3 =	vperm.xlane v3, v2;
	v4 =	vadd.s32 v1, v4;
	_ =	sdelay $0x1  }
0x116: {  	v3 =	vadd.s32 v1, v3  }
.Ltmp3:
0x117: {  	_ = 	snop;
	(pc) =	sbr.rel .LBB2_3-.Ltmp3, $4  }
0x118: {  	s21 =	simm.s32 $0x13200  }
0x119: {  	[tilespmem:s21], [sflag:$0x8] =	stream.indirect_vreg.gather [hbm4b:s1+s3], $0x80, v4, vm0, $0xb8;
	[tilespmem:$0x14200] =	vst v63  }
0x11a: {  	s21 =	simm.s32 $0x13A00  }
0x11b: {  	[tilespmem:s21], [sflag:$0x8] =	stream.indirect_vreg.gather [hbm4b:s1+s3], $0x80, v3, vm0, $0xb8;
	[tilespmem:$0x14200] =	vst v63  }
.LBB2_4:
0x11c: {  	_ =	sfence.sel $0x180000  }
0x11d: {  	[bflag:$0x0] =	sbarrier.arrive $0xFFFF  }
0x11e: {  	_ =	strace $0x90000047  }
0x11f: {  	s0 =	stileid.u32;
	[bflag:$0x2] =	sbarrier.arrive $0xFFFF  }
0x120: {  	p0 =	sne.s32 s0, $0x0;
	s0 =	rddreg [dreg:$0x3]  }
0x121: {  	s0 =	sadd.s32 @!p0 $0x100000, s0  }
0x122: {  	[sflag:s0] =	ssyncadd.tile.s32 @!p0 $0x1;
	_ =	shalt  }
.Lfunc_end2:
_tile_overlayer_lowered:
.L_overlay_start_2:
0x123: {  	(tag) =	ssettag $0x2  }
0x124: {  	s0 =	rddreg [dreg:$0x0];
	s2 =	stileid.u32  }
0x125: {  	s1 =	rddreg [dreg:$0x1];
	p0 =	sne.s32 s2, $0x0  }
0x126: {  	s3 =	rddreg [dreg:$0x2];
	[bflag:$0x3] =	sbarrier.arrive $0xFFFF;
	s2 =	simm.s32 @!p0 $0x1C0D  }
0x127: {  	[timem:s3], [sflag:s2] =	dma.local @!p0 [hbm:s0], s1  }
0x128: {  	s0 =	simm.s32 @!p0 $0xD  }
0x129: {  	_ =	swait.ge @!p0 [sflag:s0], s1  }
0x12a: {  	s1 =	ssub.s32 @!p0 $0x0, s1;
	[sflag:s0] =	ssyncset.done @!p0 $0x0  }
0x12b: {  	[sflag:s0] =	ssyncadd.s32 @!p0 s1  }
0x12c: {  	[bflag:$0x3] =	sbarrier.arrive $0xFFFF  }
0x12d: {  	_ =	shalt  }

</sc_bundles>
